<compile_context>
chip_gen: v7x
topology: tpu7x:2x2x1
jax: 0.10.2.dev20260603
libtpu: 0.0.44.dev20260713+nightly
codegen_flags: <defaults>
</compile_context>

<pallas_src>
import math

import jax
import jax.numpy as jnp
from jax import lax
from jax.experimental import pallas as pl
from jax.experimental.pallas import tpu as pltpu
from jax.experimental.pallas import tpu_sc as plsc

B, L = 16384, 200
PLANE = B * L
D_OUT = 54
NUM_WORKERS = 32
PW = PLANE // NUM_WORKERS
CH = 512
NCH = PW // CH
LANES = 16
GROUPS = CH // LANES
ROWW = 48 * LANES


def _sc_kernel(tab_hbm, time_hbm, out_hbm, tab_v, mon_v, wd_v,
               colbuf_a, colbuf_b, sem_mon, sem_wd, sem_out):
    cid = lax.axis_index("c")
    sid = lax.axis_index("s")
    wid = cid * 16 + sid
    base = wid * PW

    pltpu.sync_copy(tab_hbm, tab_v)

    def stage(i, buf):
        o = base + i * CH
        pltpu.make_async_copy(
            time_hbm.at[pl.ds(o, CH)],
            mon_v.at[pl.ds(buf * CH, CH)], sem_mon).start()
        pltpu.make_async_copy(
            time_hbm.at[pl.ds(4 * PLANE + o, CH)],
            wd_v.at[pl.ds(buf * CH, CH)], sem_wd).start()

    def stage_wait(i, buf):
        o = base + i * CH
        pltpu.make_async_copy(
            time_hbm.at[pl.ds(o, CH)],
            mon_v.at[pl.ds(buf * CH, CH)], sem_mon).wait()
        pltpu.make_async_copy(
            time_hbm.at[pl.ds(4 * PLANE + o, CH)],
            wd_v.at[pl.ds(buf * CH, CH)], sem_wd).wait()

    def col_dma(i, cb):
        return pltpu.make_async_copy(
            cb, out_hbm.at[0:48, pl.ds(base + i * CH, CH)], sem_out)

    stage(0, 0)

    def body(i, carry):
        buf = lax.rem(i, 2)
        stage_wait(i, buf)

        @pl.when(i + 1 < NCH)
        def _():
            stage(i + 1, 1 - buf)

        lanei = lax.iota(jnp.int32, LANES)

        def run(cb):
            @pl.when(i >= 2)
            def _():
                col_dma(i - 2, cb).wait()

            def fill(g, carry2):
                g16 = buf * CH + g * LANES
                mon = mon_v[pl.ds(g16, LANES)]
                wd = wd_v[pl.ds(g16, LANES)]
                idx = ((mon.astype(jnp.int32) - 1) * 8
                       + wd.astype(jnp.int32)) * ROWW + lanei
                o16 = g * LANES
                for c in range(48):
                    val = plsc.load_gather(tab_v, [idx + (c * LANES)])
                    cb[c, pl.ds(o16, LANES)] = val
                return carry2

            lax.fori_loop(0, GROUPS, fill, 0)
            col_dma(i, cb).start()

        @pl.when(buf == 0)
        def _():
            run(colbuf_a)

        @pl.when(buf == 1)
        def _():
            run(colbuf_b)

        return carry

    lax.fori_loop(0, NCH, body, 0)

    col_dma(NCH - 2, colbuf_a if (NCH - 2) % 2 == 0 else colbuf_b).wait()
    col_dma(NCH - 1, colbuf_a if (NCH - 1) % 2 == 0 else colbuf_b).wait()


def _tc_feat_kernel(alias_ref, t_ref, o_ref):
    f = pl.program_id(0)
    x = t_ref[...]
    scale = jnp.where(f < 2, 2 * math.pi / 31,
                      jnp.where(f < 4, 2 * math.pi / 24, 2 * math.pi / 60))
    phase = jnp.where(lax.rem(f, 2) == 0, 0.0, math.pi / 2)
    o_ref[...] = jnp.sin(x * scale + phase)


def kernel(time, emb_month, emb_weekday):
    m_ids = jnp.arange(96, dtype=jnp.int32) // 8
    w_ids = jnp.arange(96, dtype=jnp.int32) % 8
    tab = jnp.concatenate(
        [emb_month[m_ids], emb_weekday[w_ids]], axis=1)
    tab = jnp.repeat(tab.reshape(96 * 48, 1), LANES, axis=1).reshape(-1)

    time_flat = (time.transpose(2, 1, 0)
                 .reshape(5, 25, 8, 128, 128)
                 .transpose(0, 1, 3, 2, 4)
                 .reshape(5 * PLANE))

    mesh = plsc.VectorSubcoreMesh(core_axis_name="c", subcore_axis_name="s")
    sc_out = pl.kernel(
        _sc_kernel,
        mesh=mesh,
        out_type=jax.ShapeDtypeStruct((D_OUT, PLANE), jnp.float32),
        scratch_types=[
            pltpu.VMEM((96 * ROWW,), jnp.float32),
            pltpu.VMEM((2 * CH,), jnp.float32),
            pltpu.VMEM((2 * CH,), jnp.float32),
            pltpu.VMEM((48, CH), jnp.float32),
            pltpu.VMEM((48, CH), jnp.float32),
            pltpu.SemaphoreType.DMA,
            pltpu.SemaphoreType.DMA,
            pltpu.SemaphoreType.DMA,
        ],
        compiler_params=pltpu.CompilerParams(
            needs_layout_passes=False, use_tc_tiling_on_sc=False,
            disable_bounds_checks=True),
    )(tab, time_flat)

    TPP = PLANE // 1024
    KT = 200
    M = TPP // KT
    out3 = sc_out.reshape(D_OUT * TPP, 8, 128)
    t3 = time_flat.reshape(5 * TPP, 8, 128)
    out3 = pl.pallas_call(
        _tc_feat_kernel,
        grid=(6, M),
        in_specs=[
            pl.BlockSpec(memory_space=pl.ANY),
            pl.BlockSpec((KT, 8, 128),
                         lambda f, j: ((1 + f // 2) * M + j, 0, 0)),
        ],
        out_specs=pl.BlockSpec((KT, 8, 128),
                               lambda f, j: ((48 + f) * M + j, 0, 0)),
        out_shape=jax.ShapeDtypeStruct((D_OUT * TPP, 8, 128), jnp.float32),
        input_output_aliases={0: 0},
    )(out3, t3)

    return (out3.reshape(D_OUT, 25, 128, 8, 128)
            .transpose(0, 1, 3, 2, 4)
            .reshape(D_OUT, L, B)
            .transpose(2, 1, 0))

# --- scband reference (transcript-rebuilt; emitter-appended) ---
"""Pipeline reference for scband-embedding-datetime-35433480192015 (READ-ONLY COPY).

The authoritative reference and input builder live on the scoring server;
editing this copy changes nothing except your own understanding.
"""

import jax, jax.numpy as jnp
import numpy as np
import math

B, L = 16384, 200
EMB_MONTH, EMB_WEEKDAY = 32, 16

def setup_inputs(seed: int = 0) -> dict:
    key = jax.random.key(seed)
    k1, k2, k3, k4, k5, k6, k7 = jax.random.split(key, 7)
    # Per-column valid ranges: month in [1,12], day in [0,31), hour in [0,24), minute in [0,60), weekday in [0,8)
    month = jax.random.randint(k1, (B, L), 1, 13).astype(jnp.float32)
    day = jax.random.randint(k2, (B, L), 0, 31).astype(jnp.float32)
    hour = jax.random.randint(k3, (B, L), 0, 24).astype(jnp.float32)
    minute = jax.random.randint(k4, (B, L), 0, 60).astype(jnp.float32)
    weekday = jax.random.randint(k5, (B, L), 0, 8).astype(jnp.float32)
    time = jnp.stack([month, day, hour, minute, weekday], axis=-1)
    emb_month = jax.random.normal(k6, (12, EMB_MONTH), dtype=jnp.float32)
    emb_weekday = jax.random.normal(k7, (8, EMB_WEEKDAY), dtype=jnp.float32)
    return {"time": time, "emb_month": emb_month, "emb_weekday": emb_weekday}

def reference(time, emb_month, emb_weekday):
    month = time[:, :, 0].astype(jnp.int32) - 1
    day = time[:, :, 1][..., None]
    hour = time[:, :, 2][..., None]
    minute = time[:, :, 3][..., None]
    weekday = time[:, :, 4].astype(jnp.int32)
    day_sin = jnp.sin(day * (2 * math.pi / 31))
    day_cos = jnp.cos(day * (2 * math.pi / 31))
    hour_sin = jnp.sin(hour * (2 * math.pi / 24))
    hour_cos = jnp.cos(hour * (2 * math.pi / 24))
    minute_sin = jnp.sin(minute * (2 * math.pi / 60))
    minute_cos = jnp.cos(minute * (2 * math.pi / 60))
    month_emb = jnp.take(emb_month, month, axis=0)
    weekday_emb = jnp.take(emb_weekday, weekday, axis=0)
    return jnp.concatenate([month_emb, weekday_emb, day_sin, day_cos, hour_sin, hour_cos, minute_sin, minute_cos], axis=-1)

if __name__ == "__main__":
    import jax
    _d = setup_inputs()
    print(jax.jit(kernel)(*tuple(_d.values())))

</pallas_src>

<mosaic_0001>
#map = affine_map<(d0, d1) -> (0)>
#map1 = affine_map<(d0, d1) -> (0, 0)>
module attributes {stable_mosaic.version = 14 : i64} {
  func.func @_sc_kernel(%arg0: i32, %arg1: i32, %arg2: memref<73728xf32, #tpu.memory_space<hbm>>, %arg3: memref<16384000xf32, #tpu.memory_space<hbm>>, %arg4: memref<54x3276800xf32, #tpu.memory_space<hbm>>, %arg5: memref<73728xf32, #tpu.memory_space<vmem>>, %arg6: memref<1024xf32, #tpu.memory_space<vmem>>, %arg7: memref<1024xf32, #tpu.memory_space<vmem>>, %arg8: memref<48x512xf32, #tpu.memory_space<vmem>>, %arg9: memref<48x512xf32, #tpu.memory_space<vmem>>, %arg10: memref<!tpu.dma_semaphore, #tpu.memory_space<semaphore_mem>>, %arg11: memref<!tpu.dma_semaphore, #tpu.memory_space<semaphore_mem>>, %arg12: memref<!tpu.dma_semaphore, #tpu.memory_space<semaphore_mem>>) attributes {dimension_semantics = [#tpu.dimension_semantics<core_parallel>, #tpu.dimension_semantics<subcore_parallel>], iteration_bounds = array<i64: 2, 16>, scalar_prefetch = 0 : i64, scratch_operands = 8 : i64, tpu.core_type = #tpu.core_type<sc_vector_subcore>, window_params = [{transform_indices = #map}, {transform_indices = #map}, {transform_indices = #map1}]} {
    %mul3A = arith.constant 16 : i32
    %mul3A_0 = arith.muli %arg0, %mul3A : i32
    %add3A = arith.addi %mul3A_0, %arg1 : i32
    %mul3A_1 = arith.constant 102400 : i32
    %mul3A_2 = arith.muli %add3A, %mul3A_1 : i32
    "tpu.region"() ({
      %run_scoped3A = tpu.sem_alloc : memref<!tpu.dma_semaphore, #tpu.memory_space<semaphore_mem>>
      tpu.enqueue_dma source(%arg2 : memref<73728xf32, #tpu.memory_space<hbm>>) target(%arg5 : memref<73728xf32, #tpu.memory_space<vmem>>) target_semaphore(%run_scoped3A : memref<!tpu.dma_semaphore, #tpu.memory_space<semaphore_mem>>)
      tpu.wait_dma2 semaphore(%run_scoped3A : memref<!tpu.dma_semaphore, #tpu.memory_space<semaphore_mem>>) src(%arg2 : memref<73728xf32, #tpu.memory_space<hbm>>) dst(%arg5 : memref<73728xf32, #tpu.memory_space<vmem>>)
      tpu.yield
    }) : () -> ()
    %add3A_3 = arith.constant 0 : i32
    %add3A_4 = arith.addi %mul3A_2, %add3A_3 : i32
    %dma_start3A = arith.constant 0 : i32
    %dma_start3A_5 = tpu.memref_slice %arg6[%dma_start3A] : memref<1024xf32, #tpu.memory_space<vmem>> -> memref<512xf32, #tpu.memory_space<vmem>>
    %dma_start3A_6 = tpu.memref_slice %arg3[%add3A_4] : memref<16384000xf32, #tpu.memory_space<hbm>> -> memref<512xf32, #tpu.memory_space<hbm>>
    %dma_start3A_7 = arith.constant 0 : i32
    %dma_start3A_8 = tpu.memref_slice %arg6[%dma_start3A_7] : memref<1024xf32, #tpu.memory_space<vmem>> -> memref<512xf32, #tpu.memory_space<vmem>>
    %dma_start3A_9 = tpu.memref_slice %arg3[%add3A_4] : memref<16384000xf32, #tpu.memory_space<hbm>> -> memref<512xf32, #tpu.memory_space<hbm>>
    tpu.enqueue_dma source(%dma_start3A_9 : memref<512xf32, #tpu.memory_space<hbm>>) target(%dma_start3A_8 : memref<512xf32, #tpu.memory_space<vmem>>) target_semaphore(%arg10 : memref<!tpu.dma_semaphore, #tpu.memory_space<semaphore_mem>>)
    %add3A_10 = arith.constant 13107200 : i32
    %add3A_11 = arith.addi %add3A_10, %add3A_4 : i32
    %dma_start3A_12 = arith.constant 0 : i32
    %dma_start3A_13 = tpu.memref_slice %arg7[%dma_start3A_12] : memref<1024xf32, #tpu.memory_space<vmem>> -> memref<512xf32, #tpu.memory_space<vmem>>
    %dma_start3A_14 = tpu.memref_slice %arg3[%add3A_11] : memref<16384000xf32, #tpu.memory_space<hbm>> -> memref<512xf32, #tpu.memory_space<hbm>>
    %dma_start3A_15 = arith.constant 0 : i32
    %dma_start3A_16 = tpu.memref_slice %arg7[%dma_start3A_15] : memref<1024xf32, #tpu.memory_space<vmem>> -> memref<512xf32, #tpu.memory_space<vmem>>
    %dma_start3A_17 = tpu.memref_slice %arg3[%add3A_11] : memref<16384000xf32, #tpu.memory_space<hbm>> -> memref<512xf32, #tpu.memory_space<hbm>>
    tpu.enqueue_dma source(%dma_start3A_17 : memref<512xf32, #tpu.memory_space<hbm>>) target(%dma_start3A_16 : memref<512xf32, #tpu.memory_space<vmem>>) target_semaphore(%arg11 : memref<!tpu.dma_semaphore, #tpu.memory_space<semaphore_mem>>)
    %scan3A = arith.constant 0 : i32
    %scan3A_18 = arith.constant 0 : i32
    %scan3A_19 = arith.constant 200 : i32
    %scan3A_20 = arith.addi %scan3A_18, %scan3A_19 : i32
    %scan3A_21 = arith.constant 1 : i32
    scf.for %scan3A_34 = %scan3A_18 to %scan3A_20 step %scan3A_21  : i32 {
      %rem3A = arith.constant 2 : i32
      %rem3A_35 = arith.remsi %scan3A_34, %rem3A : i32
      %mul3A_36 = arith.constant 512 : i32
      %mul3A_37 = arith.muli %scan3A_34, %mul3A_36 : i32
      %add3A_38 = arith.addi %mul3A_2, %mul3A_37 : i32
      %mul3A_39 = arith.constant 512 : i32
      %mul3A_40 = arith.muli %rem3A_35, %mul3A_39 : i32
      %dma_wait3A_41 = tpu.memref_slice %arg6[%mul3A_40] : memref<1024xf32, #tpu.memory_space<vmem>> -> memref<512xf32, #tpu.memory_space<vmem>>
      %dma_wait3A_42 = tpu.memref_slice %arg3[%add3A_38] : memref<16384000xf32, #tpu.memory_space<hbm>> -> memref<512xf32, #tpu.memory_space<hbm>>
      %dma_wait3A_43 = tpu.memref_slice %arg6[%mul3A_40] : memref<1024xf32, #tpu.memory_space<vmem>> -> memref<512xf32, #tpu.memory_space<vmem>>
      %dma_wait3A_44 = tpu.memref_slice %arg3[%add3A_38] : memref<16384000xf32, #tpu.memory_space<hbm>> -> memref<512xf32, #tpu.memory_space<hbm>>
      tpu.wait_dma2 semaphore(%arg10 : memref<!tpu.dma_semaphore, #tpu.memory_space<semaphore_mem>>) src(%dma_wait3A_44 : memref<512xf32, #tpu.memory_space<hbm>>) dst(%dma_wait3A_43 : memref<512xf32, #tpu.memory_space<vmem>>)
      %add3A_45 = arith.constant 13107200 : i32
      %add3A_46 = arith.addi %add3A_45, %add3A_38 : i32
      %mul3A_47 = arith.constant 512 : i32
      %mul3A_48 = arith.muli %rem3A_35, %mul3A_47 : i32
      %dma_wait3A_49 = tpu.memref_slice %arg7[%mul3A_48] : memref<1024xf32, #tpu.memory_space<vmem>> -> memref<512xf32, #tpu.memory_space<vmem>>
      %dma_wait3A_50 = tpu.memref_slice %arg3[%add3A_46] : memref<16384000xf32, #tpu.memory_space<hbm>> -> memref<512xf32, #tpu.memory_space<hbm>>
      %dma_wait3A_51 = tpu.memref_slice %arg7[%mul3A_48] : memref<1024xf32, #tpu.memory_space<vmem>> -> memref<512xf32, #tpu.memory_space<vmem>>
      %dma_wait3A_52 = tpu.memref_slice %arg3[%add3A_46] : memref<16384000xf32, #tpu.memory_space<hbm>> -> memref<512xf32, #tpu.memory_space<hbm>>
      tpu.wait_dma2 semaphore(%arg11 : memref<!tpu.dma_semaphore, #tpu.memory_space<semaphore_mem>>) src(%dma_wait3A_52 : memref<512xf32, #tpu.memory_space<hbm>>) dst(%dma_wait3A_51 : memref<512xf32, #tpu.memory_space<vmem>>)
      %add3A_53 = arith.constant 1 : i32
      %add3A_54 = arith.addi %scan3A_34, %add3A_53 : i32
      %lt3A = arith.constant 200 : i32
      %lt3A_55 = arith.cmpi slt, %add3A_54, %lt3A : i32
      %convert_element_type3A = arith.extui %lt3A_55 : i1 to i32
      %cond3A = arith.constant 0 : i32
      %cond3A_56 = arith.cmpi ne, %convert_element_type3A, %cond3A : i32
      scf.if %cond3A_56 {
        %add3A_66 = arith.constant 1 : i32
        %add3A_67 = arith.addi %scan3A_34, %add3A_66 : i32
        %sub3A = arith.constant 1 : i32
        %sub3A_68 = arith.subi %sub3A, %rem3A_35 : i32
        %mul3A_69 = arith.constant 512 : i32
        %mul3A_70 = arith.muli %add3A_67, %mul3A_69 : i32
        %add3A_71 = arith.addi %mul3A_2, %mul3A_70 : i32
        %mul3A_72 = arith.constant 512 : i32
        %mul3A_73 = arith.muli %sub3A_68, %mul3A_72 : i32
        %dma_start3A_74 = tpu.memref_slice %arg6[%mul3A_73] : memref<1024xf32, #tpu.memory_space<vmem>> -> memref<512xf32, #tpu.memory_space<vmem>>
        %dma_start3A_75 = tpu.memref_slice %arg3[%add3A_71] : memref<16384000xf32, #tpu.memory_space<hbm>> -> memref<512xf32, #tpu.memory_space<hbm>>
        %dma_start3A_76 = tpu.memref_slice %arg6[%mul3A_73] : memref<1024xf32, #tpu.memory_space<vmem>> -> memref<512xf32, #tpu.memory_space<vmem>>
        %dma_start3A_77 = tpu.memref_slice %arg3[%add3A_71] : memref<16384000xf32, #tpu.memory_space<hbm>> -> memref<512xf32, #tpu.memory_space<hbm>>
        tpu.enqueue_dma source(%dma_start3A_77 : memref<512xf32, #tpu.memory_space<hbm>>) target(%dma_start3A_76 : memref<512xf32, #tpu.memory_space<vmem>>) target_semaphore(%arg10 : memref<!tpu.dma_semaphore, #tpu.memory_space<semaphore_mem>>)
        %add3A_78 = arith.constant 13107200 : i32
        %add3A_79 = arith.addi %add3A_78, %add3A_71 : i32
        %mul3A_80 = arith.constant 512 : i32
        %mul3A_81 = arith.muli %sub3A_68, %mul3A_80 : i32
        %dma_start3A_82 = tpu.memref_slice %arg7[%mul3A_81] : memref<1024xf32, #tpu.memory_space<vmem>> -> memref<512xf32, #tpu.memory_space<vmem>>
        %dma_start3A_83 = tpu.memref_slice %arg3[%add3A_79] : memref<16384000xf32, #tpu.memory_space<hbm>> -> memref<512xf32, #tpu.memory_space<hbm>>
        %dma_start3A_84 = tpu.memref_slice %arg7[%mul3A_81] : memref<1024xf32, #tpu.memory_space<vmem>> -> memref<512xf32, #tpu.memory_space<vmem>>
        %dma_start3A_85 = tpu.memref_slice %arg3[%add3A_79] : memref<16384000xf32, #tpu.memory_space<hbm>> -> memref<512xf32, #tpu.memory_space<hbm>>
        tpu.enqueue_dma source(%dma_start3A_85 : memref<512xf32, #tpu.memory_space<hbm>>) target(%dma_start3A_84 : memref<512xf32, #tpu.memory_space<vmem>>) target_semaphore(%arg11 : memref<!tpu.dma_semaphore, #tpu.memory_space<semaphore_mem>>)
      } else {
      }
      %iota3A = tpu.iota {dimensions = array<i32: 0>} : vector<16xi32>
      %eq3A = arith.constant 0 : i32
      %eq3A_57 = arith.cmpi eq, %rem3A_35, %eq3A : i32
      %convert_element_type3A_58 = arith.extui %eq3A_57 : i1 to i32
      %cond3A_59 = arith.constant 0 : i32
      %cond3A_60 = arith.cmpi ne, %convert_element_type3A_58, %cond3A_59 : i32
      scf.if %cond3A_60 {
        %ge3A = arith.constant 2 : i32
        %ge3A_66 = arith.cmpi sge, %scan3A_34, %ge3A : i32
        %convert_element_type3A_67 = arith.extui %ge3A_66 : i1 to i32
        %cond3A_68 = arith.constant 0 : i32
        %cond3A_69 = arith.cmpi ne, %convert_element_type3A_67, %cond3A_68 : i32
        scf.if %cond3A_69 {
          %sub3A = arith.constant 2 : i32
          %sub3A_83 = arith.subi %scan3A_34, %sub3A : i32
          %mul3A_84 = arith.constant 512 : i32
          %mul3A_85 = arith.muli %sub3A_83, %mul3A_84 : i32
          %add3A_86 = arith.addi %mul3A_2, %mul3A_85 : i32
          %dma_wait3A_87 = arith.constant 0 : i32
          %dma_wait3A_88 = tpu.memref_slice %arg4[%dma_wait3A_87, %add3A_86] : memref<54x3276800xf32, #tpu.memory_space<hbm>> -> memref<48x512xf32, #tpu.memory_space<hbm>>
          %dma_wait3A_89 = arith.constant 0 : i32
          %dma_wait3A_90 = tpu.memref_slice %arg4[%dma_wait3A_89, %add3A_86] : memref<54x3276800xf32, #tpu.memory_space<hbm>> -> memref<48x512xf32, #tpu.memory_space<hbm>>
          tpu.wait_dma2 semaphore(%arg12 : memref<!tpu.dma_semaphore, #tpu.memory_space<semaphore_mem>>) src(%arg8 : memref<48x512xf32, #tpu.memory_space<vmem>>) dst(%dma_wait3A_90 : memref<48x512xf32, #tpu.memory_space<hbm>>)
        } else {
        }
        %scan3A_70 = arith.constant 0 : i32
        %scan3A_71 = arith.constant 0 : i32
        %scan3A_72 = arith.constant 32 : i32
        %scan3A_73 = arith.addi %scan3A_71, %scan3A_72 : i32
        %scan3A_74 = arith.constant 1 : i32
        scf.for %scan3A_83 = %scan3A_71 to %scan3A_73 step %scan3A_74  : i32 {
          %mul3A_84 = arith.constant 512 : i32
          %mul3A_85 = arith.muli %rem3A_35, %mul3A_84 : i32
          %mul3A_86 = arith.constant 16 : i32
          %mul3A_87 = arith.muli %scan3A_83, %mul3A_86 : i32
          %add3A_88 = arith.addi %mul3A_85, %mul3A_87 : i32
          %get3A = arith.index_cast %add3A_88 : i32 to index
          %get3A_89 = tpu.vector_load %arg6[%get3A] {strides = array<i32>} : memref<1024xf32, #tpu.memory_space<vmem>>, vector<16xf32>,
          %get3A_90 = arith.index_cast %add3A_88 : i32 to index
          %get3A_91 = tpu.vector_load %arg7[%get3A_90] {strides = array<i32>} : memref<1024xf32, #tpu.memory_space<vmem>>, vector<16xf32>,
          %convert_element_type3A_92 = arith.fptosi %get3A_89 : vector<16xf32> to vector<16xi32>
          %sub3A = arith.constant 1 : i32
          %sub3A_93 = vector.broadcast %sub3A : i32 to vector<16xi32>
          %sub3A_94 = arith.subi %convert_element_type3A_92, %sub3A_93 : vector<16xi32>
          %mul3A_95 = arith.constant 8 : i32
          %mul3A_96 = vector.broadcast %mul3A_95 : i32 to vector<16xi32>
          %mul3A_97 = arith.muli %sub3A_94, %mul3A_96 : vector<16xi32>
          %convert_element_type3A_98 = arith.fptosi %get3A_91 : vector<16xf32> to vector<16xi32>
          %add3A_99 = arith.addi %mul3A_97, %convert_element_type3A_98 : vector<16xi32>
          %mul3A_100 = arith.constant 768 : i32
          %mul3A_101 = vector.broadcast %mul3A_100 : i32 to vector<16xi32>
          %mul3A_102 = arith.muli %add3A_99, %mul3A_101 : vector<16xi32>
          %add3A_103 = arith.addi %mul3A_102, %iota3A : vector<16xi32>
          %mul3A_104 = arith.constant 16 : i32
          %mul3A_105 = arith.muli %scan3A_83, %mul3A_104 : i32
          %add3A_106 = arith.constant 0 : i32
          %add3A_107 = vector.broadcast %add3A_106 : i32 to vector<16xi32>
          %add3A_108 = arith.addi %add3A_103, %add3A_107 : vector<16xi32>
          %gather3A = tpu.vector_load_idx %arg5[%add3A_108] : memref<73728xf32, #tpu.memory_space<vmem>>[vector<16xi32>], vector<16xf32>,
          %swap3A = arith.constant 0 : i32
          %swap3A_109 = arith.index_cast %swap3A : i32 to index
          %swap3A_110 = arith.index_cast %mul3A_105 : i32 to index
          %swap3A_111 = tpu.vector_load %arg8[%swap3A_109, %swap3A_110] {strides = array<i32>} : memref<48x512xf32, #tpu.memory_space<vmem>>, vector<16xf32>,
          tpu.vector_store %arg8[%swap3A_109, %swap3A_110], %gather3A {strides = array<i32>} : memref<48x512xf32, #tpu.memory_space<vmem>>, vector<16xf32>,
          %add3A_112 = arith.constant 16 : i32
          %add3A_113 = vector.broadcast %add3A_112 : i32 to vector<16xi32>
          %add3A_114 = arith.addi %add3A_103, %add3A_113 : vector<16xi32>
          %gather3A_115 = tpu.vector_load_idx %arg5[%add3A_114] : memref<73728xf32, #tpu.memory_space<vmem>>[vector<16xi32>], vector<16xf32>,
          %swap3A_116 = arith.constant 1 : i32
          %swap3A_117 = arith.index_cast %swap3A_116 : i32 to index
          %swap3A_118 = arith.index_cast %mul3A_105 : i32 to index
          %swap3A_119 = tpu.vector_load %arg8[%swap3A_117, %swap3A_118] {strides = array<i32>} : memref<48x512xf32, #tpu.memory_space<vmem>>, vector<16xf32>,
          tpu.vector_store %arg8[%swap3A_117, %swap3A_118], %gather3A_115 {strides = array<i32>} : memref<48x512xf32, #tpu.memory_space<vmem>>, vector<16xf32>,
          %add3A_120 = arith.constant 32 : i32
          %add3A_121 = vector.broadcast %add3A_120 : i32 to vector<16xi32>
          %add3A_122 = arith.addi %add3A_103, %add3A_121 : vector<16xi32>
          %gather3A_123 = tpu.vector_load_idx %arg5[%add3A_122] : memref<73728xf32, #tpu.memory_space<vmem>>[vector<16xi32>], vector<16xf32>,
          %swap3A_124 = arith.constant 2 : i32
          %swap3A_125 = arith.index_cast %swap3A_124 : i32 to index
          %swap3A_126 = arith.index_cast %mul3A_105 : i32 to index
          %swap3A_127 = tpu.vector_load %arg8[%swap3A_125, %swap3A_126] {strides = array<i32>} : memref<48x512xf32, #tpu.memory_space<vmem>>, vector<16xf32>,
          tpu.vector_store %arg8[%swap3A_125, %swap3A_126], %gather3A_123 {strides = array<i32>} : memref<48x512xf32, #tpu.memory_space<vmem>>, vector<16xf32>,
          %add3A_128 = arith.constant 48 : i32
          %add3A_129 = vector.broadcast %add3A_128 : i32 to vector<16xi32>
          %add3A_130 = arith.addi %add3A_103, %add3A_129 : vector<16xi32>
          %gather3A_131 = tpu.vector_load_idx %arg5[%add3A_130] : memref<73728xf32, #tpu.memory_space<vmem>>[vector<16xi32>], vector<16xf32>,
          %swap3A_132 = arith.constant 3 : i32
          %swap3A_133 = arith.index_cast %swap3A_132 : i32 to index
          %swap3A_134 = arith.index_cast %mul3A_105 : i32 to index
          %swap3A_135 = tpu.vector_load %arg8[%swap3A_133, %swap3A_134] {strides = array<i32>} : memref<48x512xf32, #tpu.memory_space<vmem>>, vector<16xf32>,
          tpu.vector_store %arg8[%swap3A_133, %swap3A_134], %gather3A_131 {strides = array<i32>} : memref<48x512xf32, #tpu.memory_space<vmem>>, vector<16xf32>,
          %add3A_136 = arith.constant 64 : i32
          %add3A_137 = vector.broadcast %add3A_136 : i32 to vector<16xi32>
          %add3A_138 = arith.addi %add3A_103, %add3A_137 : vector<16xi32>
          %gather3A_139 = tpu.vector_load_idx %arg5[%add3A_138] : memref<73728xf32, #tpu.memory_space<vmem>>[vector<16xi32>], vector<16xf32>,
          %swap3A_140 = arith.constant 4 : i32
          %swap3A_141 = arith.index_cast %swap3A_140 : i32 to index
          %swap3A_142 = arith.index_cast %mul3A_105 : i32 to index
          %swap3A_143 = tpu.vector_load %arg8[%swap3A_141, %swap3A_142] {strides = array<i32>} : memref<48x512xf32, #tpu.memory_space<vmem>>, vector<16xf32>,
          tpu.vector_store %arg8[%swap3A_141, %swap3A_142], %gather3A_139 {strides = array<i32>} : memref<48x512xf32, #tpu.memory_space<vmem>>, vector<16xf32>,
          %add3A_144 = arith.constant 80 : i32
          %add3A_145 = vector.broadcast %add3A_144 : i32 to vector<16xi32>
          %add3A_146 = arith.addi %add3A_103, %add3A_145 : vector<16xi32>
          %gather3A_147 = tpu.vector_load_idx %arg5[%add3A_146] : memref<73728xf32, #tpu.memory_space<vmem>>[vector<16xi32>], vector<16xf32>,
          %swap3A_148 = arith.constant 5 : i32
          %swap3A_149 = arith.index_cast %swap3A_148 : i32 to index
          %swap3A_150 = arith.index_cast %mul3A_105 : i32 to index
          %swap3A_151 = tpu.vector_load %arg8[%swap3A_149, %swap3A_150] {strides = array<i32>} : memref<48x512xf32, #tpu.memory_space<vmem>>, vector<16xf32>,
          tpu.vector_store %arg8[%swap3A_149, %swap3A_150], %gather3A_147 {strides = array<i32>} : memref<48x512xf32, #tpu.memory_space<vmem>>, vector<16xf32>,
          %add3A_152 = arith.constant 96 : i32
          %add3A_153 = vector.broadcast %add3A_152 : i32 to vector<16xi32>
          %add3A_154 = arith.addi %add3A_103, %add3A_153 : vector<16xi32>
          %gather3A_155 = tpu.vector_load_idx %arg5[%add3A_154] : memref<73728xf32, #tpu.memory_space<vmem>>[vector<16xi32>], vector<16xf32>,
          %swap3A_156 = arith.constant 6 : i32
          %swap3A_157 = arith.index_cast %swap3A_156 : i32 to index
          %swap3A_158 = arith.index_cast %mul3A_105 : i32 to index
          %swap3A_159 = tpu.vector_load %arg8[%swap3A_157, %swap3A_158] {strides = array<i32>} : memref<48x512xf32, #tpu.memory_space<vmem>>, vector<16xf32>,
          tpu.vector_store %arg8[%swap3A_157, %swap3A_158], %gather3A_155 {strides = array<i32>} : memref<48x512xf32, #tpu.memory_space<vmem>>, vector<16xf32>,
          %add3A_160 = arith.constant 112 : i32
          %add3A_161 = vector.broadcast %add3A_160 : i32 to vector<16xi32>
          %add3A_162 = arith.addi %add3A_103, %add3A_161 : vector<16xi32>
          %gather3A_163 = tpu.vector_load_idx %arg5[%add3A_162] : memref<73728xf32, #tpu.memory_space<vmem>>[vector<16xi32>], vector<16xf32>,
          %swap3A_164 = arith.constant 7 : i32
          %swap3A_165 = arith.index_cast %swap3A_164 : i32 to index
          %swap3A_166 = arith.index_cast %mul3A_105 : i32 to index
          %swap3A_167 = tpu.vector_load %arg8[%swap3A_165, %swap3A_166] {strides = array<i32>} : memref<48x512xf32, #tpu.memory_space<vmem>>, vector<16xf32>,
          tpu.vector_store %arg8[%swap3A_165, %swap3A_166], %gather3A_163 {strides = array<i32>} : memref<48x512xf32, #tpu.memory_space<vmem>>, vector<16xf32>,
          %add3A_168 = arith.constant 128 : i32
          %add3A_169 = vector.broadcast %add3A_168 : i32 to vector<16xi32>
          %add3A_170 = arith.addi %add3A_103, %add3A_169 : vector<16xi32>
          %gather3A_171 = tpu.vector_load_idx %arg5[%add3A_170] : memref<73728xf32, #tpu.memory_space<vmem>>[vector<16xi32>], vector<16xf32>,
          %swap3A_172 = arith.constant 8 : i32
          %swap3A_173 = arith.index_cast %swap3A_172 : i32 to index
          %swap3A_174 = arith.index_cast %mul3A_105 : i32 to index
          %swap3A_175 = tpu.vector_load %arg8[%swap3A_173, %swap3A_174] {strides = array<i32>} : memref<48x512xf32, #tpu.memory_space<vmem>>, vector<16xf32>,
          tpu.vector_store %arg8[%swap3A_173, %swap3A_174], %gather3A_171 {strides = array<i32>} : memref<48x512xf32, #tpu.memory_space<vmem>>, vector<16xf32>,
          %add3A_176 = arith.constant 144 : i32
          %add3A_177 = vector.broadcast %add3A_176 : i32 to vector<16xi32>
          %add3A_178 = arith.addi %add3A_103, %add3A_177 : vector<16xi32>
          %gather3A_179 = tpu.vector_load_idx %arg5[%add3A_178] : memref<73728xf32, #tpu.memory_space<vmem>>[vector<16xi32>], vector<16xf32>,
          %swap3A_180 = arith.constant 9 : i32
          %swap3A_181 = arith.index_cast %swap3A_180 : i32 to index
          %swap3A_182 = arith.index_cast %mul3A_105 : i32 to index
          %swap3A_183 = tpu.vector_load %arg8[%swap3A_181, %swap3A_182] {strides = array<i32>} : memref<48x512xf32, #tpu.memory_space<vmem>>, vector<16xf32>,
          tpu.vector_store %arg8[%swap3A_181, %swap3A_182], %gather3A_179 {strides = array<i32>} : memref<48x512xf32, #tpu.memory_space<vmem>>, vector<16xf32>,
          %add3A_184 = arith.constant 160 : i32
          %add3A_185 = vector.broadcast %add3A_184 : i32 to vector<16xi32>
          %add3A_186 = arith.addi %add3A_103, %add3A_185 : vector<16xi32>
          %gather3A_187 = tpu.vector_load_idx %arg5[%add3A_186] : memref<73728xf32, #tpu.memory_space<vmem>>[vector<16xi32>], vector<16xf32>,
          %swap3A_188 = arith.constant 10 : i32
          %swap3A_189 = arith.index_cast %swap3A_188 : i32 to index
          %swap3A_190 = arith.index_cast %mul3A_105 : i32 to index
          %swap3A_191 = tpu.vector_load %arg8[%swap3A_189, %swap3A_190] {strides = array<i32>} : memref<48x512xf32, #tpu.memory_space<vmem>>, vector<16xf32>,
          tpu.vector_store %arg8[%swap3A_189, %swap3A_190], %gather3A_187 {strides = array<i32>} : memref<48x512xf32, #tpu.memory_space<vmem>>, vector<16xf32>,
          %add3A_192 = arith.constant 176 : i32
          %add3A_193 = vector.broadcast %add3A_192 : i32 to vector<16xi32>
          %add3A_194 = arith.addi %add3A_103, %add3A_193 : vector<16xi32>
          %gather3A_195 = tpu.vector_load_idx %arg5[%add3A_194] : memref<73728xf32, #tpu.memory_space<vmem>>[vector<16xi32>], vector<16xf32>,
          %swap3A_196 = arith.constant 11 : i32
          %swap3A_197 = arith.index_cast %swap3A_196 : i32 to index
          %swap3A_198 = arith.index_cast %mul3A_105 : i32 to index
          %swap3A_199 = tpu.vector_load %arg8[%swap3A_197, %swap3A_198] {strides = array<i32>} : memref<48x512xf32, #tpu.memory_space<vmem>>, vector<16xf32>,
          tpu.vector_store %arg8[%swap3A_197, %swap3A_198], %gather3A_195 {strides = array<i32>} : memref<48x512xf32, #tpu.memory_space<vmem>>, vector<16xf32>,
          %add3A_200 = arith.constant 192 : i32
          %add3A_201 = vector.broadcast %add3A_200 : i32 to vector<16xi32>
          %add3A_202 = arith.addi %add3A_103, %add3A_201 : vector<16xi32>
          %gather3A_203 = tpu.vector_load_idx %arg5[%add3A_202] : memref<73728xf32, #tpu.memory_space<vmem>>[vector<16xi32>], vector<16xf32>,
          %swap3A_204 = arith.constant 12 : i32
          %swap3A_205 = arith.index_cast %swap3A_204 : i32 to index
          %swap3A_206 = arith.index_cast %mul3A_105 : i32 to index
          %swap3A_207 = tpu.vector_load %arg8[%swap3A_205, %swap3A_206] {strides = array<i32>} : memref<48x512xf32, #tpu.memory_space<vmem>>, vector<16xf32>,
          tpu.vector_store %arg8[%swap3A_205, %swap3A_206], %gather3A_203 {strides = array<i32>} : memref<48x512xf32, #tpu.memory_space<vmem>>, vector<16xf32>,
          %add3A_208 = arith.constant 208 : i32
          %add3A_209 = vector.broadcast %add3A_208 : i32 to vector<16xi32>
          %add3A_210 = arith.addi %add3A_103, %add3A_209 : vector<16xi32>
          %gather3A_211 = tpu.vector_load_idx %arg5[%add3A_210] : memref<73728xf32, #tpu.memory_space<vmem>>[vector<16xi32>], vector<16xf32>,
          %swap3A_212 = arith.constant 13 : i32
          %swap3A_213 = arith.index_cast %swap3A_212 : i32 to index
          %swap3A_214 = arith.index_cast %mul3A_105 : i32 to index
          %swap3A_215 = tpu.vector_load %arg8[%swap3A_213, %swap3A_214] {strides = array<i32>} : memref<48x512xf32, #tpu.memory_space<vmem>>, vector<16xf32>,
          tpu.vector_store %arg8[%swap3A_213, %swap3A_214], %gather3A_211 {strides = array<i32>} : memref<48x512xf32, #tpu.memory_space<vmem>>, vector<16xf32>,
          %add3A_216 = arith.constant 224 : i32
          %add3A_217 = vector.broadcast %add3A_216 : i32 to vector<16xi32>
          %add3A_218 = arith.addi %add3A_103, %add3A_217 : vector<16xi32>
          %gather3A_219 = tpu.vector_load_idx %arg5[%add3A_218] : memref<73728xf32, #tpu.memory_space<vmem>>[vector<16xi32>], vector<16xf32>,
          %swap3A_220 = arith.constant 14 : i32
          %swap3A_221 = arith.index_cast %swap3A_220 : i32 to index
          %swap3A_222 = arith.index_cast %mul3A_105 : i32 to index
          %swap3A_223 = tpu.vector_load %arg8[%swap3A_221, %swap3A_222] {strides = array<i32>} : memref<48x512xf32, #tpu.memory_space<vmem>>, vector<16xf32>,
          tpu.vector_store %arg8[%swap3A_221, %swap3A_222], %gather3A_219 {strides = array<i32>} : memref<48x512xf32, #tpu.memory_space<vmem>>, vector<16xf32>,
          %add3A_224 = arith.constant 240 : i32
          %add3A_225 = vector.broadcast %add3A_224 : i32 to vector<16xi32>
          %add3A_226 = arith.addi %add3A_103, %add3A_225 : vector<16xi32>
          %gather3A_227 = tpu.vector_load_idx %arg5[%add3A_226] : memref<73728xf32, #tpu.memory_space<vmem>>[vector<16xi32>], vector<16xf32>,
          %swap3A_228 = arith.constant 15 : i32
          %swap3A_229 = arith.index_cast %swap3A_228 : i32 to index
          %swap3A_230 = arith.index_cast %mul3A_105 : i32 to index
          %swap3A_231 = tpu.vector_load %arg8[%swap3A_229, %swap3A_230] {strides = array<i32>} : memref<48x512xf32, #tpu.memory_space<vmem>>, vector<16xf32>,
          tpu.vector_store %arg8[%swap3A_229, %swap3A_230], %gather3A_227 {strides = array<i32>} : memref<48x512xf32, #tpu.memory_space<vmem>>, vector<16xf32>,
          %add3A_232 = arith.constant 256 : i32
          %add3A_233 = vector.broadcast %add3A_232 : i32 to vector<16xi32>
          %add3A_234 = arith.addi %add3A_103, %add3A_233 : vector<16xi32>
          %gather3A_235 = tpu.vector_load_idx %arg5[%add3A_234] : memref<73728xf32, #tpu.memory_space<vmem>>[vector<16xi32>], vector<16xf32>,
          %swap3A_236 = arith.constant 16 : i32
          %swap3A_237 = arith.index_cast %swap3A_236 : i32 to index
          %swap3A_238 = arith.index_cast %mul3A_105 : i32 to index
          %swap3A_239 = tpu.vector_load %arg8[%swap3A_237, %swap3A_238] {strides = array<i32>} : memref<48x512xf32, #tpu.memory_space<vmem>>, vector<16xf32>,
          tpu.vector_store %arg8[%swap3A_237, %swap3A_238], %gather3A_235 {strides = array<i32>} : memref<48x512xf32, #tpu.memory_space<vmem>>, vector<16xf32>,
          %add3A_240 = arith.constant 272 : i32
          %add3A_241 = vector.broadcast %add3A_240 : i32 to vector<16xi32>
          %add3A_242 = arith.addi %add3A_103, %add3A_241 : vector<16xi32>
          %gather3A_243 = tpu.vector_load_idx %arg5[%add3A_242] : memref<73728xf32, #tpu.memory_space<vmem>>[vector<16xi32>], vector<16xf32>,
          %swap3A_244 = arith.constant 17 : i32
          %swap3A_245 = arith.index_cast %swap3A_244 : i32 to index
          %swap3A_246 = arith.index_cast %mul3A_105 : i32 to index
          %swap3A_247 = tpu.vector_load %arg8[%swap3A_245, %swap3A_246] {strides = array<i32>} : memref<48x512xf32, #tpu.memory_space<vmem>>, vector<16xf32>,
          tpu.vector_store %arg8[%swap3A_245, %swap3A_246], %gather3A_243 {strides = array<i32>} : memref<48x512xf32, #tpu.memory_space<vmem>>, vector<16xf32>,
          %add3A_248 = arith.constant 288 : i32
          %add3A_249 = vector.broadcast %add3A_248 : i32 to vector<16xi32>
          %add3A_250 = arith.addi %add3A_103, %add3A_249 : vector<16xi32>
          %gather3A_251 = tpu.vector_load_idx %arg5[%add3A_250] : memref<73728xf32, #tpu.memory_space<vmem>>[vector<16xi32>], vector<16xf32>,
          %swap3A_252 = arith.constant 18 : i32
          %swap3A_253 = arith.index_cast %swap3A_252 : i32 to index
          %swap3A_254 = arith.index_cast %mul3A_105 : i32 to index
          %swap3A_255 = tpu.vector_load %arg8[%swap3A_253, %swap3A_254] {strides = array<i32>} : memref<48x512xf32, #tpu.memory_space<vmem>>, vector<16xf32>,
          tpu.vector_store %arg8[%swap3A_253, %swap3A_254], %gather3A_251 {strides = array<i32>} : memref<48x512xf32, #tpu.memory_space<vmem>>, vector<16xf32>,
          %add3A_256 = arith.constant 304 : i32
          %add3A_257 = vector.broadcast %add3A_256 : i32 to vector<16xi32>
          %add3A_258 = arith.addi %add3A_103, %add3A_257 : vector<16xi32>
          %gather3A_259 = tpu.vector_load_idx %arg5[%add3A_258] : memref<73728xf32, #tpu.memory_space<vmem>>[vector<16xi32>], vector<16xf32>,
          %swap3A_260 = arith.constant 19 : i32
          %swap3A_261 = arith.index_cast %swap3A_260 : i32 to index
          %swap3A_262 = arith.index_cast %mul3A_105 : i32 to index
          %swap3A_263 = tpu.vector_load %arg8[%swap3A_261, %swap3A_262] {strides = array<i32>} : memref<48x512xf32, #tpu.memory_space<vmem>>, vector<16xf32>,
          tpu.vector_store %arg8[%swap3A_261, %swap3A_262], %gather3A_259 {strides = array<i32>} : memref<48x512xf32, #tpu.memory_space<vmem>>, vector<16xf32>,
          %add3A_264 = arith.constant 320 : i32
          %add3A_265 = vector.broadcast %add3A_264 : i32 to vector<16xi32>
          %add3A_266 = arith.addi %add3A_103, %add3A_265 : vector<16xi32>
          %gather3A_267 = tpu.vector_load_idx %arg5[%add3A_266] : memref<73728xf32, #tpu.memory_space<vmem>>[vector<16xi32>], vector<16xf32>,
          %swap3A_268 = arith.constant 20 : i32
          %swap3A_269 = arith.index_cast %swap3A_268 : i32 to index
          %swap3A_270 = arith.index_cast %mul3A_105 : i32 to index
          %swap3A_271 = tpu.vector_load %arg8[%swap3A_269, %swap3A_270] {strides = array<i32>} : memref<48x512xf32, #tpu.memory_space<vmem>>, vector<16xf32>,
          tpu.vector_store %arg8[%swap3A_269, %swap3A_270], %gather3A_267 {strides = array<i32>} : memref<48x512xf32, #tpu.memory_space<vmem>>, vector<16xf32>,
          %add3A_272 = arith.constant 336 : i32
          %add3A_273 = vector.broadcast %add3A_272 : i32 to vector<16xi32>
          %add3A_274 = arith.addi %add3A_103, %add3A_273 : vector<16xi32>
          %gather3A_275 = tpu.vector_load_idx %arg5[%add3A_274] : memref<73728xf32, #tpu.memory_space<vmem>>[vector<16xi32>], vector<16xf32>,
          %swap3A_276 = arith.constant 21 : i32
          %swap3A_277 = arith.index_cast %swap3A_276 : i32 to index
          %swap3A_278 = arith.index_cast %mul3A_105 : i32 to index
          %swap3A_279 = tpu.vector_load %arg8[%swap3A_277, %swap3A_278] {strides = array<i32>} : memref<48x512xf32, #tpu.memory_space<vmem>>, vector<16xf32>,
          tpu.vector_store %arg8[%swap3A_277, %swap3A_278], %gather3A_275 {strides = array<i32>} : memref<48x512xf32, #tpu.memory_space<vmem>>, vector<16xf32>,
          %add3A_280 = arith.constant 352 : i32
          %add3A_281 = vector.broadcast %add3A_280 : i32 to vector<16xi32>
          %add3A_282 = arith.addi %add3A_103, %add3A_281 : vector<16xi32>
          %gather3A_283 = tpu.vector_load_idx %arg5[%add3A_282] : memref<73728xf32, #tpu.memory_space<vmem>>[vector<16xi32>], vector<16xf32>,
          %swap3A_284 = arith.constant 22 : i32
          %swap3A_285 = arith.index_cast %swap3A_284 : i32 to index
          %swap3A_286 = arith.index_cast %mul3A_105 : i32 to index
          %swap3A_287 = tpu.vector_load %arg8[%swap3A_285, %swap3A_286] {strides = array<i32>} : memref<48x512xf32, #tpu.memory_space<vmem>>, vector<16xf32>,
          tpu.vector_store %arg8[%swap3A_285, %swap3A_286], %gather3A_283 {strides = array<i32>} : memref<48x512xf32, #tpu.memory_space<vmem>>, vector<16xf32>,
          %add3A_288 = arith.constant 368 : i32
          %add3A_289 = vector.broadcast %add3A_288 : i32 to vector<16xi32>
          %add3A_290 = arith.addi %add3A_103, %add3A_289 : vector<16xi32>
          %gather3A_291 = tpu.vector_load_idx %arg5[%add3A_290] : memref<73728xf32, #tpu.memory_space<vmem>>[vector<16xi32>], vector<16xf32>,
          %swap3A_292 = arith.constant 23 : i32
          %swap3A_293 = arith.index_cast %swap3A_292 : i32 to index
          %swap3A_294 = arith.index_cast %mul3A_105 : i32 to index
          %swap3A_295 = tpu.vector_load %arg8[%swap3A_293, %swap3A_294] {strides = array<i32>} : memref<48x512xf32, #tpu.memory_space<vmem>>, vector<16xf32>,
          tpu.vector_store %arg8[%swap3A_293, %swap3A_294], %gather3A_291 {strides = array<i32>} : memref<48x512xf32, #tpu.memory_space<vmem>>, vector<16xf32>,
          %add3A_296 = arith.constant 384 : i32
          %add3A_297 = vector.broadcast %add3A_296 : i32 to vector<16xi32>
          %add3A_298 = arith.addi %add3A_103, %add3A_297 : vector<16xi32>
          %gather3A_299 = tpu.vector_load_idx %arg5[%add3A_298] : memref<73728xf32, #tpu.memory_space<vmem>>[vector<16xi32>], vector<16xf32>,
          %swap3A_300 = arith.constant 24 : i32
          %swap3A_301 = arith.index_cast %swap3A_300 : i32 to index
          %swap3A_302 = arith.index_cast %mul3A_105 : i32 to index
          %swap3A_303 = tpu.vector_load %arg8[%swap3A_301, %swap3A_302] {strides = array<i32>} : memref<48x512xf32, #tpu.memory_space<vmem>>, vector<16xf32>,
          tpu.vector_store %arg8[%swap3A_301, %swap3A_302], %gather3A_299 {strides = array<i32>} : memref<48x512xf32, #tpu.memory_space<vmem>>, vector<16xf32>,
          %add3A_304 = arith.constant 400 : i32
          %add3A_305 = vector.broadcast %add3A_304 : i32 to vector<16xi32>
          %add3A_306 = arith.addi %add3A_103, %add3A_305 : vector<16xi32>
          %gather3A_307 = tpu.vector_load_idx %arg5[%add3A_306] : memref<73728xf32, #tpu.memory_space<vmem>>[vector<16xi32>], vector<16xf32>,
          %swap3A_308 = arith.constant 25 : i32
          %swap3A_309 = arith.index_cast %swap3A_308 : i32 to index
          %swap3A_310 = arith.index_cast %mul3A_105 : i32 to index
          %swap3A_311 = tpu.vector_load %arg8[%swap3A_309, %swap3A_310] {strides = array<i32>} : memref<48x512xf32, #tpu.memory_space<vmem>>, vector<16xf32>,
          tpu.vector_store %arg8[%swap3A_309, %swap3A_310], %gather3A_307 {strides = array<i32>} : memref<48x512xf32, #tpu.memory_space<vmem>>, vector<16xf32>,
          %add3A_312 = arith.constant 416 : i32
          %add3A_313 = vector.broadcast %add3A_312 : i32 to vector<16xi32>
          %add3A_314 = arith.addi %add3A_103, %add3A_313 : vector<16xi32>
          %gather3A_315 = tpu.vector_load_idx %arg5[%add3A_314] : memref<73728xf32, #tpu.memory_space<vmem>>[vector<16xi32>], vector<16xf32>,
          %swap3A_316 = arith.constant 26 : i32
          %swap3A_317 = arith.index_cast %swap3A_316 : i32 to index
          %swap3A_318 = arith.index_cast %mul3A_105 : i32 to index
          %swap3A_319 = tpu.vector_load %arg8[%swap3A_317, %swap3A_318] {strides = array<i32>} : memref<48x512xf32, #tpu.memory_space<vmem>>, vector<16xf32>,
          tpu.vector_store %arg8[%swap3A_317, %swap3A_318], %gather3A_315 {strides = array<i32>} : memref<48x512xf32, #tpu.memory_space<vmem>>, vector<16xf32>,
          %add3A_320 = arith.constant 432 : i32
          %add3A_321 = vector.broadcast %add3A_320 : i32 to vector<16xi32>
          %add3A_322 = arith.addi %add3A_103, %add3A_321 : vector<16xi32>
          %gather3A_323 = tpu.vector_load_idx %arg5[%add3A_322] : memref<73728xf32, #tpu.memory_space<vmem>>[vector<16xi32>], vector<16xf32>,
          %swap3A_324 = arith.constant 27 : i32
          %swap3A_325 = arith.index_cast %swap3A_324 : i32 to index
          %swap3A_326 = arith.index_cast %mul3A_105 : i32 to index
          %swap3A_327 = tpu.vector_load %arg8[%swap3A_325, %swap3A_326] {strides = array<i32>} : memref<48x512xf32, #tpu.memory_space<vmem>>, vector<16xf32>,
          tpu.vector_store %arg8[%swap3A_325, %swap3A_326], %gather3A_323 {strides = array<i32>} : memref<48x512xf32, #tpu.memory_space<vmem>>, vector<16xf32>,
          %add3A_328 = arith.constant 448 : i32
          %add3A_329 = vector.broadcast %add3A_328 : i32 to vector<16xi32>
          %add3A_330 = arith.addi %add3A_103, %add3A_329 : vector<16xi32>
          %gather3A_331 = tpu.vector_load_idx %arg5[%add3A_330] : memref<73728xf32, #tpu.memory_space<vmem>>[vector<16xi32>], vector<16xf32>,
          %swap3A_332 = arith.constant 28 : i32
          %swap3A_333 = arith.index_cast %swap3A_332 : i32 to index
          %swap3A_334 = arith.index_cast %mul3A_105 : i32 to index
          %swap3A_335 = tpu.vector_load %arg8[%swap3A_333, %swap3A_334] {strides = array<i32>} : memref<48x512xf32, #tpu.memory_space<vmem>>, vector<16xf32>,
          tpu.vector_store %arg8[%swap3A_333, %swap3A_334], %gather3A_331 {strides = array<i32>} : memref<48x512xf32, #tpu.memory_space<vmem>>, vector<16xf32>,
          %add3A_336 = arith.constant 464 : i32
          %add3A_337 = vector.broadcast %add3A_336 : i32 to vector<16xi32>
          %add3A_338 = arith.addi %add3A_103, %add3A_337 : vector<16xi32>
          %gather3A_339 = tpu.vector_load_idx %arg5[%add3A_338] : memref<73728xf32, #tpu.memory_space<vmem>>[vector<16xi32>], vector<16xf32>,
          %swap3A_340 = arith.constant 29 : i32
          %swap3A_341 = arith.index_cast %swap3A_340 : i32 to index
          %swap3A_342 = arith.index_cast %mul3A_105 : i32 to index
          %swap3A_343 = tpu.vector_load %arg8[%swap3A_341, %swap3A_342] {strides = array<i32>} : memref<48x512xf32, #tpu.memory_space<vmem>>, vector<16xf32>,
          tpu.vector_store %arg8[%swap3A_341, %swap3A_342], %gather3A_339 {strides = array<i32>} : memref<48x512xf32, #tpu.memory_space<vmem>>, vector<16xf32>,
          %add3A_344 = arith.constant 480 : i32
          %add3A_345 = vector.broadcast %add3A_344 : i32 to vector<16xi32>
          %add3A_346 = arith.addi %add3A_103, %add3A_345 : vector<16xi32>
          %gather3A_347 = tpu.vector_load_idx %arg5[%add3A_346] : memref<73728xf32, #tpu.memory_space<vmem>>[vector<16xi32>], vector<16xf32>,
          %swap3A_348 = arith.constant 30 : i32
          %swap3A_349 = arith.index_cast %swap3A_348 : i32 to index
          %swap3A_350 = arith.index_cast %mul3A_105 : i32 to index
          %swap3A_351 = tpu.vector_load %arg8[%swap3A_349, %swap3A_350] {strides = array<i32>} : memref<48x512xf32, #tpu.memory_space<vmem>>, vector<16xf32>,
          tpu.vector_store %arg8[%swap3A_349, %swap3A_350], %gather3A_347 {strides = array<i32>} : memref<48x512xf32, #tpu.memory_space<vmem>>, vector<16xf32>,
          %add3A_352 = arith.constant 496 : i32
          %add3A_353 = vector.broadcast %add3A_352 : i32 to vector<16xi32>
          %add3A_354 = arith.addi %add3A_103, %add3A_353 : vector<16xi32>
          %gather3A_355 = tpu.vector_load_idx %arg5[%add3A_354] : memref<73728xf32, #tpu.memory_space<vmem>>[vector<16xi32>], vector<16xf32>,
          %swap3A_356 = arith.constant 31 : i32
          %swap3A_357 = arith.index_cast %swap3A_356 : i32 to index
          %swap3A_358 = arith.index_cast %mul3A_105 : i32 to index
          %swap3A_359 = tpu.vector_load %arg8[%swap3A_357, %swap3A_358] {strides = array<i32>} : memref<48x512xf32, #tpu.memory_space<vmem>>, vector<16xf32>,
          tpu.vector_store %arg8[%swap3A_357, %swap3A_358], %gather3A_355 {strides = array<i32>} : memref<48x512xf32, #tpu.memory_space<vmem>>, vector<16xf32>,
          %add3A_360 = arith.constant 512 : i32
          %add3A_361 = vector.broadcast %add3A_360 : i32 to vector<16xi32>
          %add3A_362 = arith.addi %add3A_103, %add3A_361 : vector<16xi32>
          %gather3A_363 = tpu.vector_load_idx %arg5[%add3A_362] : memref<73728xf32, #tpu.memory_space<vmem>>[vector<16xi32>], vector<16xf32>,
          %swap3A_364 = arith.constant 32 : i32
          %swap3A_365 = arith.index_cast %swap3A_364 : i32 to index
          %swap3A_366 = arith.index_cast %mul3A_105 : i32 to index
          %swap3A_367 = tpu.vector_load %arg8[%swap3A_365, %swap3A_366] {strides = array<i32>} : memref<48x512xf32, #tpu.memory_space<vmem>>, vector<16xf32>,
          tpu.vector_store %arg8[%swap3A_365, %swap3A_366], %gather3A_363 {strides = array<i32>} : memref<48x512xf32, #tpu.memory_space<vmem>>, vector<16xf32>,
          %add3A_368 = arith.constant 528 : i32
          %add3A_369 = vector.broadcast %add3A_368 : i32 to vector<16xi32>
          %add3A_370 = arith.addi %add3A_103, %add3A_369 : vector<16xi32>
          %gather3A_371 = tpu.vector_load_idx %arg5[%add3A_370] : memref<73728xf32, #tpu.memory_space<vmem>>[vector<16xi32>], vector<16xf32>,
          %swap3A_372 = arith.constant 33 : i32
          %swap3A_373 = arith.index_cast %swap3A_372 : i32 to index
          %swap3A_374 = arith.index_cast %mul3A_105 : i32 to index
          %swap3A_375 = tpu.vector_load %arg8[%swap3A_373, %swap3A_374] {strides = array<i32>} : memref<48x512xf32, #tpu.memory_space<vmem>>, vector<16xf32>,
          tpu.vector_store %arg8[%swap3A_373, %swap3A_374], %gather3A_371 {strides = array<i32>} : memref<48x512xf32, #tpu.memory_space<vmem>>, vector<16xf32>,
          %add3A_376 = arith.constant 544 : i32
          %add3A_377 = vector.broadcast %add3A_376 : i32 to vector<16xi32>
          %add3A_378 = arith.addi %add3A_103, %add3A_377 : vector<16xi32>
          %gather3A_379 = tpu.vector_load_idx %arg5[%add3A_378] : memref<73728xf32, #tpu.memory_space<vmem>>[vector<16xi32>], vector<16xf32>,
          %swap3A_380 = arith.constant 34 : i32
          %swap3A_381 = arith.index_cast %swap3A_380 : i32 to index
          %swap3A_382 = arith.index_cast %mul3A_105 : i32 to index
          %swap3A_383 = tpu.vector_load %arg8[%swap3A_381, %swap3A_382] {strides = array<i32>} : memref<48x512xf32, #tpu.memory_space<vmem>>, vector<16xf32>,
          tpu.vector_store %arg8[%swap3A_381, %swap3A_382], %gather3A_379 {strides = array<i32>} : memref<48x512xf32, #tpu.memory_space<vmem>>, vector<16xf32>,
          %add3A_384 = arith.constant 560 : i32
          %add3A_385 = vector.broadcast %add3A_384 : i32 to vector<16xi32>
          %add3A_386 = arith.addi %add3A_103, %add3A_385 : vector<16xi32>
          %gather3A_387 = tpu.vector_load_idx %arg5[%add3A_386] : memref<73728xf32, #tpu.memory_space<vmem>>[vector<16xi32>], vector<16xf32>,
          %swap3A_388 = arith.constant 35 : i32
          %swap3A_389 = arith.index_cast %swap3A_388 : i32 to index
          %swap3A_390 = arith.index_cast %mul3A_105 : i32 to index
          %swap3A_391 = tpu.vector_load %arg8[%swap3A_389, %swap3A_390] {strides = array<i32>} : memref<48x512xf32, #tpu.memory_space<vmem>>, vector<16xf32>,
          tpu.vector_store %arg8[%swap3A_389, %swap3A_390], %gather3A_387 {strides = array<i32>} : memref<48x512xf32, #tpu.memory_space<vmem>>, vector<16xf32>,
          %add3A_392 = arith.constant 576 : i32
          %add3A_393 = vector.broadcast %add3A_392 : i32 to vector<16xi32>
          %add3A_394 = arith.addi %add3A_103, %add3A_393 : vector<16xi32>
          %gather3A_395 = tpu.vector_load_idx %arg5[%add3A_394] : memref<73728xf32, #tpu.memory_space<vmem>>[vector<16xi32>], vector<16xf32>,
          %swap3A_396 = arith.constant 36 : i32
          %swap3A_397 = arith.index_cast %swap3A_396 : i32 to index
          %swap3A_398 = arith.index_cast %mul3A_105 : i32 to index
          %swap3A_399 = tpu.vector_load %arg8[%swap3A_397, %swap3A_398] {strides = array<i32>} : memref<48x512xf32, #tpu.memory_space<vmem>>, vector<16xf32>,
          tpu.vector_store %arg8[%swap3A_397, %swap3A_398], %gather3A_395 {strides = array<i32>} : memref<48x512xf32, #tpu.memory_space<vmem>>, vector<16xf32>,
          %add3A_400 = arith.constant 592 : i32
          %add3A_401 = vector.broadcast %add3A_400 : i32 to vector<16xi32>
          %add3A_402 = arith.addi %add3A_103, %add3A_401 : vector<16xi32>
          %gather3A_403 = tpu.vector_load_idx %arg5[%add3A_402] : memref<73728xf32, #tpu.memory_space<vmem>>[vector<16xi32>], vector<16xf32>,
          %swap3A_404 = arith.constant 37 : i32
          %swap3A_405 = arith.index_cast %swap3A_404 : i32 to index
          %swap3A_406 = arith.index_cast %mul3A_105 : i32 to index
          %swap3A_407 = tpu.vector_load %arg8[%swap3A_405, %swap3A_406] {strides = array<i32>} : memref<48x512xf32, #tpu.memory_space<vmem>>, vector<16xf32>,
          tpu.vector_store %arg8[%swap3A_405, %swap3A_406], %gather3A_403 {strides = array<i32>} : memref<48x512xf32, #tpu.memory_space<vmem>>, vector<16xf32>,
          %add3A_408 = arith.constant 608 : i32
          %add3A_409 = vector.broadcast %add3A_408 : i32 to vector<16xi32>
          %add3A_410 = arith.addi %add3A_103, %add3A_409 : vector<16xi32>
          %gather3A_411 = tpu.vector_load_idx %arg5[%add3A_410] : memref<73728xf32, #tpu.memory_space<vmem>>[vector<16xi32>], vector<16xf32>,
          %swap3A_412 = arith.constant 38 : i32
          %swap3A_413 = arith.index_cast %swap3A_412 : i32 to index
          %swap3A_414 = arith.index_cast %mul3A_105 : i32 to index
          %swap3A_415 = tpu.vector_load %arg8[%swap3A_413, %swap3A_414] {strides = array<i32>} : memref<48x512xf32, #tpu.memory_space<vmem>>, vector<16xf32>,
          tpu.vector_store %arg8[%swap3A_413, %swap3A_414], %gather3A_411 {strides = array<i32>} : memref<48x512xf32, #tpu.memory_space<vmem>>, vector<16xf32>,
          %add3A_416 = arith.constant 624 : i32
          %add3A_417 = vector.broadcast %add3A_416 : i32 to vector<16xi32>
          %add3A_418 = arith.addi %add3A_103, %add3A_417 : vector<16xi32>
          %gather3A_419 = tpu.vector_load_idx %arg5[%add3A_418] : memref<73728xf32, #tpu.memory_space<vmem>>[vector<16xi32>], vector<16xf32>,
          %swap3A_420 = arith.constant 39 : i32
          %swap3A_421 = arith.index_cast %swap3A_420 : i32 to index
          %swap3A_422 = arith.index_cast %mul3A_105 : i32 to index
          %swap3A_423 = tpu.vector_load %arg8[%swap3A_421, %swap3A_422] {strides = array<i32>} : memref<48x512xf32, #tpu.memory_space<vmem>>, vector<16xf32>,
          tpu.vector_store %arg8[%swap3A_421, %swap3A_422], %gather3A_419 {strides = array<i32>} : memref<48x512xf32, #tpu.memory_space<vmem>>, vector<16xf32>,
          %add3A_424 = arith.constant 640 : i32
          %add3A_425 = vector.broadcast %add3A_424 : i32 to vector<16xi32>
          %add3A_426 = arith.addi %add3A_103, %add3A_425 : vector<16xi32>
          %gather3A_427 = tpu.vector_load_idx %arg5[%add3A_426] : memref<73728xf32, #tpu.memory_space<vmem>>[vector<16xi32>], vector<16xf32>,
          %swap3A_428 = arith.constant 40 : i32
          %swap3A_429 = arith.index_cast %swap3A_428 : i32 to index
          %swap3A_430 = arith.index_cast %mul3A_105 : i32 to index
          %swap3A_431 = tpu.vector_load %arg8[%swap3A_429, %swap3A_430] {strides = array<i32>} : memref<48x512xf32, #tpu.memory_space<vmem>>, vector<16xf32>,
          tpu.vector_store %arg8[%swap3A_429, %swap3A_430], %gather3A_427 {strides = array<i32>} : memref<48x512xf32, #tpu.memory_space<vmem>>, vector<16xf32>,
          %add3A_432 = arith.constant 656 : i32
          %add3A_433 = vector.broadcast %add3A_432 : i32 to vector<16xi32>
          %add3A_434 = arith.addi %add3A_103, %add3A_433 : vector<16xi32>
          %gather3A_435 = tpu.vector_load_idx %arg5[%add3A_434] : memref<73728xf32, #tpu.memory_space<vmem>>[vector<16xi32>], vector<16xf32>,
          %swap3A_436 = arith.constant 41 : i32
          %swap3A_437 = arith.index_cast %swap3A_436 : i32 to index
          %swap3A_438 = arith.index_cast %mul3A_105 : i32 to index
          %swap3A_439 = tpu.vector_load %arg8[%swap3A_437, %swap3A_438] {strides = array<i32>} : memref<48x512xf32, #tpu.memory_space<vmem>>, vector<16xf32>,
          tpu.vector_store %arg8[%swap3A_437, %swap3A_438], %gather3A_435 {strides = array<i32>} : memref<48x512xf32, #tpu.memory_space<vmem>>, vector<16xf32>,
          %add3A_440 = arith.constant 672 : i32
          %add3A_441 = vector.broadcast %add3A_440 : i32 to vector<16xi32>
          %add3A_442 = arith.addi %add3A_103, %add3A_441 : vector<16xi32>
          %gather3A_443 = tpu.vector_load_idx %arg5[%add3A_442] : memref<73728xf32, #tpu.memory_space<vmem>>[vector<16xi32>], vector<16xf32>,
          %swap3A_444 = arith.constant 42 : i32
          %swap3A_445 = arith.index_cast %swap3A_444 : i32 to index
          %swap3A_446 = arith.index_cast %mul3A_105 : i32 to index
          %swap3A_447 = tpu.vector_load %arg8[%swap3A_445, %swap3A_446] {strides = array<i32>} : memref<48x512xf32, #tpu.memory_space<vmem>>, vector<16xf32>,
          tpu.vector_store %arg8[%swap3A_445, %swap3A_446], %gather3A_443 {strides = array<i32>} : memref<48x512xf32, #tpu.memory_space<vmem>>, vector<16xf32>,
          %add3A_448 = arith.constant 688 : i32
          %add3A_449 = vector.broadcast %add3A_448 : i32 to vector<16xi32>
          %add3A_450 = arith.addi %add3A_103, %add3A_449 : vector<16xi32>
          %gather3A_451 = tpu.vector_load_idx %arg5[%add3A_450] : memref<73728xf32, #tpu.memory_space<vmem>>[vector<16xi32>], vector<16xf32>,
          %swap3A_452 = arith.constant 43 : i32
          %swap3A_453 = arith.index_cast %swap3A_452 : i32 to index
          %swap3A_454 = arith.index_cast %mul3A_105 : i32 to index
          %swap3A_455 = tpu.vector_load %arg8[%swap3A_453, %swap3A_454] {strides = array<i32>} : memref<48x512xf32, #tpu.memory_space<vmem>>, vector<16xf32>,
          tpu.vector_store %arg8[%swap3A_453, %swap3A_454], %gather3A_451 {strides = array<i32>} : memref<48x512xf32, #tpu.memory_space<vmem>>, vector<16xf32>,
          %add3A_456 = arith.constant 704 : i32
          %add3A_457 = vector.broadcast %add3A_456 : i32 to vector<16xi32>
          %add3A_458 = arith.addi %add3A_103, %add3A_457 : vector<16xi32>
          %gather3A_459 = tpu.vector_load_idx %arg5[%add3A_458] : memref<73728xf32, #tpu.memory_space<vmem>>[vector<16xi32>], vector<16xf32>,
          %swap3A_460 = arith.constant 44 : i32
          %swap3A_461 = arith.index_cast %swap3A_460 : i32 to index
          %swap3A_462 = arith.index_cast %mul3A_105 : i32 to index
          %swap3A_463 = tpu.vector_load %arg8[%swap3A_461, %swap3A_462] {strides = array<i32>} : memref<48x512xf32, #tpu.memory_space<vmem>>, vector<16xf32>,
          tpu.vector_store %arg8[%swap3A_461, %swap3A_462], %gather3A_459 {strides = array<i32>} : memref<48x512xf32, #tpu.memory_space<vmem>>, vector<16xf32>,
          %add3A_464 = arith.constant 720 : i32
          %add3A_465 = vector.broadcast %add3A_464 : i32 to vector<16xi32>
          %add3A_466 = arith.addi %add3A_103, %add3A_465 : vector<16xi32>
          %gather3A_467 = tpu.vector_load_idx %arg5[%add3A_466] : memref<73728xf32, #tpu.memory_space<vmem>>[vector<16xi32>], vector<16xf32>,
          %swap3A_468 = arith.constant 45 : i32
          %swap3A_469 = arith.index_cast %swap3A_468 : i32 to index
          %swap3A_470 = arith.index_cast %mul3A_105 : i32 to index
          %swap3A_471 = tpu.vector_load %arg8[%swap3A_469, %swap3A_470] {strides = array<i32>} : memref<48x512xf32, #tpu.memory_space<vmem>>, vector<16xf32>,
          tpu.vector_store %arg8[%swap3A_469, %swap3A_470], %gather3A_467 {strides = array<i32>} : memref<48x512xf32, #tpu.memory_space<vmem>>, vector<16xf32>,
          %add3A_472 = arith.constant 736 : i32
          %add3A_473 = vector.broadcast %add3A_472 : i32 to vector<16xi32>
          %add3A_474 = arith.addi %add3A_103, %add3A_473 : vector<16xi32>
          %gather3A_475 = tpu.vector_load_idx %arg5[%add3A_474] : memref<73728xf32, #tpu.memory_space<vmem>>[vector<16xi32>], vector<16xf32>,
          %swap3A_476 = arith.constant 46 : i32
          %swap3A_477 = arith.index_cast %swap3A_476 : i32 to index
          %swap3A_478 = arith.index_cast %mul3A_105 : i32 to index
          %swap3A_479 = tpu.vector_load %arg8[%swap3A_477, %swap3A_478] {strides = array<i32>} : memref<48x512xf32, #tpu.memory_space<vmem>>, vector<16xf32>,
          tpu.vector_store %arg8[%swap3A_477, %swap3A_478], %gather3A_475 {strides = array<i32>} : memref<48x512xf32, #tpu.memory_space<vmem>>, vector<16xf32>,
          %add3A_480 = arith.constant 752 : i32
          %add3A_481 = vector.broadcast %add3A_480 : i32 to vector<16xi32>
          %add3A_482 = arith.addi %add3A_103, %add3A_481 : vector<16xi32>
          %gather3A_483 = tpu.vector_load_idx %arg5[%add3A_482] : memref<73728xf32, #tpu.memory_space<vmem>>[vector<16xi32>], vector<16xf32>,
          %swap3A_484 = arith.constant 47 : i32
          %swap3A_485 = arith.index_cast %swap3A_484 : i32 to index
          %swap3A_486 = arith.index_cast %mul3A_105 : i32 to index
          %swap3A_487 = tpu.vector_load %arg8[%swap3A_485, %swap3A_486] {strides = array<i32>} : memref<48x512xf32, #tpu.memory_space<vmem>>, vector<16xf32>,
          tpu.vector_store %arg8[%swap3A_485, %swap3A_486], %gather3A_483 {strides = array<i32>} : memref<48x512xf32, #tpu.memory_space<vmem>>, vector<16xf32>,
        }
        %scan3A_75 = arith.constant 32 : i32
        %mul3A_76 = arith.constant 512 : i32
        %mul3A_77 = arith.muli %scan3A_34, %mul3A_76 : i32
        %add3A_78 = arith.addi %mul3A_2, %mul3A_77 : i32
        %dma_start3A_79 = arith.constant 0 : i32
        %dma_start3A_80 = tpu.memref_slice %arg4[%dma_start3A_79, %add3A_78] : memref<54x3276800xf32, #tpu.memory_space<hbm>> -> memref<48x512xf32, #tpu.memory_space<hbm>>
        %dma_start3A_81 = arith.constant 0 : i32
        %dma_start3A_82 = tpu.memref_slice %arg4[%dma_start3A_81, %add3A_78] : memref<54x3276800xf32, #tpu.memory_space<hbm>> -> memref<48x512xf32, #tpu.memory_space<hbm>>
        tpu.enqueue_dma source(%arg8 : memref<48x512xf32, #tpu.memory_space<vmem>>) target(%dma_start3A_82 : memref<48x512xf32, #tpu.memory_space<hbm>>) target_semaphore(%arg12 : memref<!tpu.dma_semaphore, #tpu.memory_space<semaphore_mem>>)
      } else {
      }
      %eq3A_61 = arith.constant 1 : i32
      %eq3A_62 = arith.cmpi eq, %rem3A_35, %eq3A_61 : i32
      %convert_element_type3A_63 = arith.extui %eq3A_62 : i1 to i32
      %cond3A_64 = arith.constant 0 : i32
      %cond3A_65 = arith.cmpi ne, %convert_element_type3A_63, %cond3A_64 : i32
      scf.if %cond3A_65 {
        %ge3A = arith.constant 2 : i32
        %ge3A_66 = arith.cmpi sge, %scan3A_34, %ge3A : i32
        %convert_element_type3A_67 = arith.extui %ge3A_66 : i1 to i32
        %cond3A_68 = arith.constant 0 : i32
        %cond3A_69 = arith.cmpi ne, %convert_element_type3A_67, %cond3A_68 : i32
        scf.if %cond3A_69 {
          %sub3A = arith.constant 2 : i32
          %sub3A_83 = arith.subi %scan3A_34, %sub3A : i32
          %mul3A_84 = arith.constant 512 : i32
          %mul3A_85 = arith.muli %sub3A_83, %mul3A_84 : i32
          %add3A_86 = arith.addi %mul3A_2, %mul3A_85 : i32
          %dma_wait3A_87 = arith.constant 0 : i32
          %dma_wait3A_88 = tpu.memref_slice %arg4[%dma_wait3A_87, %add3A_86] : memref<54x3276800xf32, #tpu.memory_space<hbm>> -> memref<48x512xf32, #tpu.memory_space<hbm>>
          %dma_wait3A_89 = arith.constant 0 : i32
          %dma_wait3A_90 = tpu.memref_slice %arg4[%dma_wait3A_89, %add3A_86] : memref<54x3276800xf32, #tpu.memory_space<hbm>> -> memref<48x512xf32, #tpu.memory_space<hbm>>
          tpu.wait_dma2 semaphore(%arg12 : memref<!tpu.dma_semaphore, #tpu.memory_space<semaphore_mem>>) src(%arg9 : memref<48x512xf32, #tpu.memory_space<vmem>>) dst(%dma_wait3A_90 : memref<48x512xf32, #tpu.memory_space<hbm>>)
        } else {
        }
        %scan3A_70 = arith.constant 0 : i32
        %scan3A_71 = arith.constant 0 : i32
        %scan3A_72 = arith.constant 32 : i32
        %scan3A_73 = arith.addi %scan3A_71, %scan3A_72 : i32
        %scan3A_74 = arith.constant 1 : i32
        scf.for %scan3A_83 = %scan3A_71 to %scan3A_73 step %scan3A_74  : i32 {
          %mul3A_84 = arith.constant 512 : i32
          %mul3A_85 = arith.muli %rem3A_35, %mul3A_84 : i32
          %mul3A_86 = arith.constant 16 : i32
          %mul3A_87 = arith.muli %scan3A_83, %mul3A_86 : i32
          %add3A_88 = arith.addi %mul3A_85, %mul3A_87 : i32
          %get3A = arith.index_cast %add3A_88 : i32 to index
          %get3A_89 = tpu.vector_load %arg6[%get3A] {strides = array<i32>} : memref<1024xf32, #tpu.memory_space<vmem>>, vector<16xf32>,
          %get3A_90 = arith.index_cast %add3A_88 : i32 to index
          %get3A_91 = tpu.vector_load %arg7[%get3A_90] {strides = array<i32>} : memref<1024xf32, #tpu.memory_space<vmem>>, vector<16xf32>,
          %convert_element_type3A_92 = arith.fptosi %get3A_89 : vector<16xf32> to vector<16xi32>
          %sub3A = arith.constant 1 : i32
          %sub3A_93 = vector.broadcast %sub3A : i32 to vector<16xi32>
          %sub3A_94 = arith.subi %convert_element_type3A_92, %sub3A_93 : vector<16xi32>
          %mul3A_95 = arith.constant 8 : i32
          %mul3A_96 = vector.broadcast %mul3A_95 : i32 to vector<16xi32>
          %mul3A_97 = arith.muli %sub3A_94, %mul3A_96 : vector<16xi32>
          %convert_element_type3A_98 = arith.fptosi %get3A_91 : vector<16xf32> to vector<16xi32>
          %add3A_99 = arith.addi %mul3A_97, %convert_element_type3A_98 : vector<16xi32>
          %mul3A_100 = arith.constant 768 : i32
          %mul3A_101 = vector.broadcast %mul3A_100 : i32 to vector<16xi32>
          %mul3A_102 = arith.muli %add3A_99, %mul3A_101 : vector<16xi32>
          %add3A_103 = arith.addi %mul3A_102, %iota3A : vector<16xi32>
          %mul3A_104 = arith.constant 16 : i32
          %mul3A_105 = arith.muli %scan3A_83, %mul3A_104 : i32
          %add3A_106 = arith.constant 0 : i32
          %add3A_107 = vector.broadcast %add3A_106 : i32 to vector<16xi32>
          %add3A_108 = arith.addi %add3A_103, %add3A_107 : vector<16xi32>
          %gather3A = tpu.vector_load_idx %arg5[%add3A_108] : memref<73728xf32, #tpu.memory_space<vmem>>[vector<16xi32>], vector<16xf32>,
          %swap3A = arith.constant 0 : i32
          %swap3A_109 = arith.index_cast %swap3A : i32 to index
          %swap3A_110 = arith.index_cast %mul3A_105 : i32 to index
          %swap3A_111 = tpu.vector_load %arg9[%swap3A_109, %swap3A_110] {strides = array<i32>} : memref<48x512xf32, #tpu.memory_space<vmem>>, vector<16xf32>,
          tpu.vector_store %arg9[%swap3A_109, %swap3A_110], %gather3A {strides = array<i32>} : memref<48x512xf32, #tpu.memory_space<vmem>>, vector<16xf32>,
          %add3A_112 = arith.constant 16 : i32
          %add3A_113 = vector.broadcast %add3A_112 : i32 to vector<16xi32>
          %add3A_114 = arith.addi %add3A_103, %add3A_113 : vector<16xi32>
          %gather3A_115 = tpu.vector_load_idx %arg5[%add3A_114] : memref<73728xf32, #tpu.memory_space<vmem>>[vector<16xi32>], vector<16xf32>,
          %swap3A_116 = arith.constant 1 : i32
          %swap3A_117 = arith.index_cast %swap3A_116 : i32 to index
          %swap3A_118 = arith.index_cast %mul3A_105 : i32 to index
          %swap3A_119 = tpu.vector_load %arg9[%swap3A_117, %swap3A_118] {strides = array<i32>} : memref<48x512xf32, #tpu.memory_space<vmem>>, vector<16xf32>,
          tpu.vector_store %arg9[%swap3A_117, %swap3A_118], %gather3A_115 {strides = array<i32>} : memref<48x512xf32, #tpu.memory_space<vmem>>, vector<16xf32>,
          %add3A_120 = arith.constant 32 : i32
          %add3A_121 = vector.broadcast %add3A_120 : i32 to vector<16xi32>
          %add3A_122 = arith.addi %add3A_103, %add3A_121 : vector<16xi32>
          %gather3A_123 = tpu.vector_load_idx %arg5[%add3A_122] : memref<73728xf32, #tpu.memory_space<vmem>>[vector<16xi32>], vector<16xf32>,
          %swap3A_124 = arith.constant 2 : i32
          %swap3A_125 = arith.index_cast %swap3A_124 : i32 to index
          %swap3A_126 = arith.index_cast %mul3A_105 : i32 to index
          %swap3A_127 = tpu.vector_load %arg9[%swap3A_125, %swap3A_126] {strides = array<i32>} : memref<48x512xf32, #tpu.memory_space<vmem>>, vector<16xf32>,
          tpu.vector_store %arg9[%swap3A_125, %swap3A_126], %gather3A_123 {strides = array<i32>} : memref<48x512xf32, #tpu.memory_space<vmem>>, vector<16xf32>,
          %add3A_128 = arith.constant 48 : i32
          %add3A_129 = vector.broadcast %add3A_128 : i32 to vector<16xi32>
          %add3A_130 = arith.addi %add3A_103, %add3A_129 : vector<16xi32>
          %gather3A_131 = tpu.vector_load_idx %arg5[%add3A_130] : memref<73728xf32, #tpu.memory_space<vmem>>[vector<16xi32>], vector<16xf32>,
          %swap3A_132 = arith.constant 3 : i32
          %swap3A_133 = arith.index_cast %swap3A_132 : i32 to index
          %swap3A_134 = arith.index_cast %mul3A_105 : i32 to index
          %swap3A_135 = tpu.vector_load %arg9[%swap3A_133, %swap3A_134] {strides = array<i32>} : memref<48x512xf32, #tpu.memory_space<vmem>>, vector<16xf32>,
          tpu.vector_store %arg9[%swap3A_133, %swap3A_134], %gather3A_131 {strides = array<i32>} : memref<48x512xf32, #tpu.memory_space<vmem>>, vector<16xf32>,
          %add3A_136 = arith.constant 64 : i32
          %add3A_137 = vector.broadcast %add3A_136 : i32 to vector<16xi32>
          %add3A_138 = arith.addi %add3A_103, %add3A_137 : vector<16xi32>
          %gather3A_139 = tpu.vector_load_idx %arg5[%add3A_138] : memref<73728xf32, #tpu.memory_space<vmem>>[vector<16xi32>], vector<16xf32>,
          %swap3A_140 = arith.constant 4 : i32
          %swap3A_141 = arith.index_cast %swap3A_140 : i32 to index
          %swap3A_142 = arith.index_cast %mul3A_105 : i32 to index
          %swap3A_143 = tpu.vector_load %arg9[%swap3A_141, %swap3A_142] {strides = array<i32>} : memref<48x512xf32, #tpu.memory_space<vmem>>, vector<16xf32>,
          tpu.vector_store %arg9[%swap3A_141, %swap3A_142], %gather3A_139 {strides = array<i32>} : memref<48x512xf32, #tpu.memory_space<vmem>>, vector<16xf32>,
          %add3A_144 = arith.constant 80 : i32
          %add3A_145 = vector.broadcast %add3A_144 : i32 to vector<16xi32>
          %add3A_146 = arith.addi %add3A_103, %add3A_145 : vector<16xi32>
          %gather3A_147 = tpu.vector_load_idx %arg5[%add3A_146] : memref<73728xf32, #tpu.memory_space<vmem>>[vector<16xi32>], vector<16xf32>,
          %swap3A_148 = arith.constant 5 : i32
          %swap3A_149 = arith.index_cast %swap3A_148 : i32 to index
          %swap3A_150 = arith.index_cast %mul3A_105 : i32 to index
          %swap3A_151 = tpu.vector_load %arg9[%swap3A_149, %swap3A_150] {strides = array<i32>} : memref<48x512xf32, #tpu.memory_space<vmem>>, vector<16xf32>,
          tpu.vector_store %arg9[%swap3A_149, %swap3A_150], %gather3A_147 {strides = array<i32>} : memref<48x512xf32, #tpu.memory_space<vmem>>, vector<16xf32>,
          %add3A_152 = arith.constant 96 : i32
          %add3A_153 = vector.broadcast %add3A_152 : i32 to vector<16xi32>
          %add3A_154 = arith.addi %add3A_103, %add3A_153 : vector<16xi32>
          %gather3A_155 = tpu.vector_load_idx %arg5[%add3A_154] : memref<73728xf32, #tpu.memory_space<vmem>>[vector<16xi32>], vector<16xf32>,
          %swap3A_156 = arith.constant 6 : i32
          %swap3A_157 = arith.index_cast %swap3A_156 : i32 to index
          %swap3A_158 = arith.index_cast %mul3A_105 : i32 to index
          %swap3A_159 = tpu.vector_load %arg9[%swap3A_157, %swap3A_158] {strides = array<i32>} : memref<48x512xf32, #tpu.memory_space<vmem>>, vector<16xf32>,
          tpu.vector_store %arg9[%swap3A_157, %swap3A_158], %gather3A_155 {strides = array<i32>} : memref<48x512xf32, #tpu.memory_space<vmem>>, vector<16xf32>,
          %add3A_160 = arith.constant 112 : i32
          %add3A_161 = vector.broadcast %add3A_160 : i32 to vector<16xi32>
          %add3A_162 = arith.addi %add3A_103, %add3A_161 : vector<16xi32>
          %gather3A_163 = tpu.vector_load_idx %arg5[%add3A_162] : memref<73728xf32, #tpu.memory_space<vmem>>[vector<16xi32>], vector<16xf32>,
          %swap3A_164 = arith.constant 7 : i32
          %swap3A_165 = arith.index_cast %swap3A_164 : i32 to index
          %swap3A_166 = arith.index_cast %mul3A_105 : i32 to index
          %swap3A_167 = tpu.vector_load %arg9[%swap3A_165, %swap3A_166] {strides = array<i32>} : memref<48x512xf32, #tpu.memory_space<vmem>>, vector<16xf32>,
          tpu.vector_store %arg9[%swap3A_165, %swap3A_166], %gather3A_163 {strides = array<i32>} : memref<48x512xf32, #tpu.memory_space<vmem>>, vector<16xf32>,
          %add3A_168 = arith.constant 128 : i32
          %add3A_169 = vector.broadcast %add3A_168 : i32 to vector<16xi32>
          %add3A_170 = arith.addi %add3A_103, %add3A_169 : vector<16xi32>
          %gather3A_171 = tpu.vector_load_idx %arg5[%add3A_170] : memref<73728xf32, #tpu.memory_space<vmem>>[vector<16xi32>], vector<16xf32>,
          %swap3A_172 = arith.constant 8 : i32
          %swap3A_173 = arith.index_cast %swap3A_172 : i32 to index
          %swap3A_174 = arith.index_cast %mul3A_105 : i32 to index
          %swap3A_175 = tpu.vector_load %arg9[%swap3A_173, %swap3A_174] {strides = array<i32>} : memref<48x512xf32, #tpu.memory_space<vmem>>, vector<16xf32>,
          tpu.vector_store %arg9[%swap3A_173, %swap3A_174], %gather3A_171 {strides = array<i32>} : memref<48x512xf32, #tpu.memory_space<vmem>>, vector<16xf32>,
          %add3A_176 = arith.constant 144 : i32
          %add3A_177 = vector.broadcast %add3A_176 : i32 to vector<16xi32>
          %add3A_178 = arith.addi %add3A_103, %add3A_177 : vector<16xi32>
          %gather3A_179 = tpu.vector_load_idx %arg5[%add3A_178] : memref<73728xf32, #tpu.memory_space<vmem>>[vector<16xi32>], vector<16xf32>,
          %swap3A_180 = arith.constant 9 : i32
          %swap3A_181 = arith.index_cast %swap3A_180 : i32 to index
          %swap3A_182 = arith.index_cast %mul3A_105 : i32 to index
          %swap3A_183 = tpu.vector_load %arg9[%swap3A_181, %swap3A_182] {strides = array<i32>} : memref<48x512xf32, #tpu.memory_space<vmem>>, vector<16xf32>,
          tpu.vector_store %arg9[%swap3A_181, %swap3A_182], %gather3A_179 {strides = array<i32>} : memref<48x512xf32, #tpu.memory_space<vmem>>, vector<16xf32>,
          %add3A_184 = arith.constant 160 : i32
          %add3A_185 = vector.broadcast %add3A_184 : i32 to vector<16xi32>
          %add3A_186 = arith.addi %add3A_103, %add3A_185 : vector<16xi32>
          %gather3A_187 = tpu.vector_load_idx %arg5[%add3A_186] : memref<73728xf32, #tpu.memory_space<vmem>>[vector<16xi32>], vector<16xf32>,
          %swap3A_188 = arith.constant 10 : i32
          %swap3A_189 = arith.index_cast %swap3A_188 : i32 to index
          %swap3A_190 = arith.index_cast %mul3A_105 : i32 to index
          %swap3A_191 = tpu.vector_load %arg9[%swap3A_189, %swap3A_190] {strides = array<i32>} : memref<48x512xf32, #tpu.memory_space<vmem>>, vector<16xf32>,
          tpu.vector_store %arg9[%swap3A_189, %swap3A_190], %gather3A_187 {strides = array<i32>} : memref<48x512xf32, #tpu.memory_space<vmem>>, vector<16xf32>,
          %add3A_192 = arith.constant 176 : i32
          %add3A_193 = vector.broadcast %add3A_192 : i32 to vector<16xi32>
          %add3A_194 = arith.addi %add3A_103, %add3A_193 : vector<16xi32>
          %gather3A_195 = tpu.vector_load_idx %arg5[%add3A_194] : memref<73728xf32, #tpu.memory_space<vmem>>[vector<16xi32>], vector<16xf32>,
          %swap3A_196 = arith.constant 11 : i32
          %swap3A_197 = arith.index_cast %swap3A_196 : i32 to index
          %swap3A_198 = arith.index_cast %mul3A_105 : i32 to index
          %swap3A_199 = tpu.vector_load %arg9[%swap3A_197, %swap3A_198] {strides = array<i32>} : memref<48x512xf32, #tpu.memory_space<vmem>>, vector<16xf32>,
          tpu.vector_store %arg9[%swap3A_197, %swap3A_198], %gather3A_195 {strides = array<i32>} : memref<48x512xf32, #tpu.memory_space<vmem>>, vector<16xf32>,
          %add3A_200 = arith.constant 192 : i32
          %add3A_201 = vector.broadcast %add3A_200 : i32 to vector<16xi32>
          %add3A_202 = arith.addi %add3A_103, %add3A_201 : vector<16xi32>
          %gather3A_203 = tpu.vector_load_idx %arg5[%add3A_202] : memref<73728xf32, #tpu.memory_space<vmem>>[vector<16xi32>], vector<16xf32>,
          %swap3A_204 = arith.constant 12 : i32
          %swap3A_205 = arith.index_cast %swap3A_204 : i32 to index
          %swap3A_206 = arith.index_cast %mul3A_105 : i32 to index
          %swap3A_207 = tpu.vector_load %arg9[%swap3A_205, %swap3A_206] {strides = array<i32>} : memref<48x512xf32, #tpu.memory_space<vmem>>, vector<16xf32>,
          tpu.vector_store %arg9[%swap3A_205, %swap3A_206], %gather3A_203 {strides = array<i32>} : memref<48x512xf32, #tpu.memory_space<vmem>>, vector<16xf32>,
          %add3A_208 = arith.constant 208 : i32
          %add3A_209 = vector.broadcast %add3A_208 : i32 to vector<16xi32>
          %add3A_210 = arith.addi %add3A_103, %add3A_209 : vector<16xi32>
          %gather3A_211 = tpu.vector_load_idx %arg5[%add3A_210] : memref<73728xf32, #tpu.memory_space<vmem>>[vector<16xi32>], vector<16xf32>,
          %swap3A_212 = arith.constant 13 : i32
          %swap3A_213 = arith.index_cast %swap3A_212 : i32 to index
          %swap3A_214 = arith.index_cast %mul3A_105 : i32 to index
          %swap3A_215 = tpu.vector_load %arg9[%swap3A_213, %swap3A_214] {strides = array<i32>} : memref<48x512xf32, #tpu.memory_space<vmem>>, vector<16xf32>,
          tpu.vector_store %arg9[%swap3A_213, %swap3A_214], %gather3A_211 {strides = array<i32>} : memref<48x512xf32, #tpu.memory_space<vmem>>, vector<16xf32>,
          %add3A_216 = arith.constant 224 : i32
          %add3A_217 = vector.broadcast %add3A_216 : i32 to vector<16xi32>
          %add3A_218 = arith.addi %add3A_103, %add3A_217 : vector<16xi32>
          %gather3A_219 = tpu.vector_load_idx %arg5[%add3A_218] : memref<73728xf32, #tpu.memory_space<vmem>>[vector<16xi32>], vector<16xf32>,
          %swap3A_220 = arith.constant 14 : i32
          %swap3A_221 = arith.index_cast %swap3A_220 : i32 to index
          %swap3A_222 = arith.index_cast %mul3A_105 : i32 to index
          %swap3A_223 = tpu.vector_load %arg9[%swap3A_221, %swap3A_222] {strides = array<i32>} : memref<48x512xf32, #tpu.memory_space<vmem>>, vector<16xf32>,
          tpu.vector_store %arg9[%swap3A_221, %swap3A_222], %gather3A_219 {strides = array<i32>} : memref<48x512xf32, #tpu.memory_space<vmem>>, vector<16xf32>,
          %add3A_224 = arith.constant 240 : i32
          %add3A_225 = vector.broadcast %add3A_224 : i32 to vector<16xi32>
          %add3A_226 = arith.addi %add3A_103, %add3A_225 : vector<16xi32>
          %gather3A_227 = tpu.vector_load_idx %arg5[%add3A_226] : memref<73728xf32, #tpu.memory_space<vmem>>[vector<16xi32>], vector<16xf32>,
          %swap3A_228 = arith.constant 15 : i32
          %swap3A_229 = arith.index_cast %swap3A_228 : i32 to index
          %swap3A_230 = arith.index_cast %mul3A_105 : i32 to index
          %swap3A_231 = tpu.vector_load %arg9[%swap3A_229, %swap3A_230] {strides = array<i32>} : memref<48x512xf32, #tpu.memory_space<vmem>>, vector<16xf32>,
          tpu.vector_store %arg9[%swap3A_229, %swap3A_230], %gather3A_227 {strides = array<i32>} : memref<48x512xf32, #tpu.memory_space<vmem>>, vector<16xf32>,
          %add3A_232 = arith.constant 256 : i32
          %add3A_233 = vector.broadcast %add3A_232 : i32 to vector<16xi32>
          %add3A_234 = arith.addi %add3A_103, %add3A_233 : vector<16xi32>
          %gather3A_235 = tpu.vector_load_idx %arg5[%add3A_234] : memref<73728xf32, #tpu.memory_space<vmem>>[vector<16xi32>], vector<16xf32>,
          %swap3A_236 = arith.constant 16 : i32
          %swap3A_237 = arith.index_cast %swap3A_236 : i32 to index
          %swap3A_238 = arith.index_cast %mul3A_105 : i32 to index
          %swap3A_239 = tpu.vector_load %arg9[%swap3A_237, %swap3A_238] {strides = array<i32>} : memref<48x512xf32, #tpu.memory_space<vmem>>, vector<16xf32>,
          tpu.vector_store %arg9[%swap3A_237, %swap3A_238], %gather3A_235 {strides = array<i32>} : memref<48x512xf32, #tpu.memory_space<vmem>>, vector<16xf32>,
          %add3A_240 = arith.constant 272 : i32
          %add3A_241 = vector.broadcast %add3A_240 : i32 to vector<16xi32>
          %add3A_242 = arith.addi %add3A_103, %add3A_241 : vector<16xi32>
          %gather3A_243 = tpu.vector_load_idx %arg5[%add3A_242] : memref<73728xf32, #tpu.memory_space<vmem>>[vector<16xi32>], vector<16xf32>,
          %swap3A_244 = arith.constant 17 : i32
          %swap3A_245 = arith.index_cast %swap3A_244 : i32 to index
          %swap3A_246 = arith.index_cast %mul3A_105 : i32 to index
          %swap3A_247 = tpu.vector_load %arg9[%swap3A_245, %swap3A_246] {strides = array<i32>} : memref<48x512xf32, #tpu.memory_space<vmem>>, vector<16xf32>,
          tpu.vector_store %arg9[%swap3A_245, %swap3A_246], %gather3A_243 {strides = array<i32>} : memref<48x512xf32, #tpu.memory_space<vmem>>, vector<16xf32>,
          %add3A_248 = arith.constant 288 : i32
          %add3A_249 = vector.broadcast %add3A_248 : i32 to vector<16xi32>
          %add3A_250 = arith.addi %add3A_103, %add3A_249 : vector<16xi32>
          %gather3A_251 = tpu.vector_load_idx %arg5[%add3A_250] : memref<73728xf32, #tpu.memory_space<vmem>>[vector<16xi32>], vector<16xf32>,
          %swap3A_252 = arith.constant 18 : i32
          %swap3A_253 = arith.index_cast %swap3A_252 : i32 to index
          %swap3A_254 = arith.index_cast %mul3A_105 : i32 to index
          %swap3A_255 = tpu.vector_load %arg9[%swap3A_253, %swap3A_254] {strides = array<i32>} : memref<48x512xf32, #tpu.memory_space<vmem>>, vector<16xf32>,
          tpu.vector_store %arg9[%swap3A_253, %swap3A_254], %gather3A_251 {strides = array<i32>} : memref<48x512xf32, #tpu.memory_space<vmem>>, vector<16xf32>,
          %add3A_256 = arith.constant 304 : i32
          %add3A_257 = vector.broadcast %add3A_256 : i32 to vector<16xi32>
          %add3A_258 = arith.addi %add3A_103, %add3A_257 : vector<16xi32>
          %gather3A_259 = tpu.vector_load_idx %arg5[%add3A_258] : memref<73728xf32, #tpu.memory_space<vmem>>[vector<16xi32>], vector<16xf32>,
          %swap3A_260 = arith.constant 19 : i32
          %swap3A_261 = arith.index_cast %swap3A_260 : i32 to index
          %swap3A_262 = arith.index_cast %mul3A_105 : i32 to index
          %swap3A_263 = tpu.vector_load %arg9[%swap3A_261, %swap3A_262] {strides = array<i32>} : memref<48x512xf32, #tpu.memory_space<vmem>>, vector<16xf32>,
          tpu.vector_store %arg9[%swap3A_261, %swap3A_262], %gather3A_259 {strides = array<i32>} : memref<48x512xf32, #tpu.memory_space<vmem>>, vector<16xf32>,
          %add3A_264 = arith.constant 320 : i32
          %add3A_265 = vector.broadcast %add3A_264 : i32 to vector<16xi32>
          %add3A_266 = arith.addi %add3A_103, %add3A_265 : vector<16xi32>
          %gather3A_267 = tpu.vector_load_idx %arg5[%add3A_266] : memref<73728xf32, #tpu.memory_space<vmem>>[vector<16xi32>], vector<16xf32>,
          %swap3A_268 = arith.constant 20 : i32
          %swap3A_269 = arith.index_cast %swap3A_268 : i32 to index
          %swap3A_270 = arith.index_cast %mul3A_105 : i32 to index
          %swap3A_271 = tpu.vector_load %arg9[%swap3A_269, %swap3A_270] {strides = array<i32>} : memref<48x512xf32, #tpu.memory_space<vmem>>, vector<16xf32>,
          tpu.vector_store %arg9[%swap3A_269, %swap3A_270], %gather3A_267 {strides = array<i32>} : memref<48x512xf32, #tpu.memory_space<vmem>>, vector<16xf32>,
          %add3A_272 = arith.constant 336 : i32
          %add3A_273 = vector.broadcast %add3A_272 : i32 to vector<16xi32>
          %add3A_274 = arith.addi %add3A_103, %add3A_273 : vector<16xi32>
          %gather3A_275 = tpu.vector_load_idx %arg5[%add3A_274] : memref<73728xf32, #tpu.memory_space<vmem>>[vector<16xi32>], vector<16xf32>,
          %swap3A_276 = arith.constant 21 : i32
          %swap3A_277 = arith.index_cast %swap3A_276 : i32 to index
          %swap3A_278 = arith.index_cast %mul3A_105 : i32 to index
          %swap3A_279 = tpu.vector_load %arg9[%swap3A_277, %swap3A_278] {strides = array<i32>} : memref<48x512xf32, #tpu.memory_space<vmem>>, vector<16xf32>,
          tpu.vector_store %arg9[%swap3A_277, %swap3A_278], %gather3A_275 {strides = array<i32>} : memref<48x512xf32, #tpu.memory_space<vmem>>, vector<16xf32>,
          %add3A_280 = arith.constant 352 : i32
          %add3A_281 = vector.broadcast %add3A_280 : i32 to vector<16xi32>
          %add3A_282 = arith.addi %add3A_103, %add3A_281 : vector<16xi32>
          %gather3A_283 = tpu.vector_load_idx %arg5[%add3A_282] : memref<73728xf32, #tpu.memory_space<vmem>>[vector<16xi32>], vector<16xf32>,
          %swap3A_284 = arith.constant 22 : i32
          %swap3A_285 = arith.index_cast %swap3A_284 : i32 to index
          %swap3A_286 = arith.index_cast %mul3A_105 : i32 to index
          %swap3A_287 = tpu.vector_load %arg9[%swap3A_285, %swap3A_286] {strides = array<i32>} : memref<48x512xf32, #tpu.memory_space<vmem>>, vector<16xf32>,
          tpu.vector_store %arg9[%swap3A_285, %swap3A_286], %gather3A_283 {strides = array<i32>} : memref<48x512xf32, #tpu.memory_space<vmem>>, vector<16xf32>,
          %add3A_288 = arith.constant 368 : i32
          %add3A_289 = vector.broadcast %add3A_288 : i32 to vector<16xi32>
          %add3A_290 = arith.addi %add3A_103, %add3A_289 : vector<16xi32>
          %gather3A_291 = tpu.vector_load_idx %arg5[%add3A_290] : memref<73728xf32, #tpu.memory_space<vmem>>[vector<16xi32>], vector<16xf32>,
          %swap3A_292 = arith.constant 23 : i32
          %swap3A_293 = arith.index_cast %swap3A_292 : i32 to index
          %swap3A_294 = arith.index_cast %mul3A_105 : i32 to index
          %swap3A_295 = tpu.vector_load %arg9[%swap3A_293, %swap3A_294] {strides = array<i32>} : memref<48x512xf32, #tpu.memory_space<vmem>>, vector<16xf32>,
          tpu.vector_store %arg9[%swap3A_293, %swap3A_294], %gather3A_291 {strides = array<i32>} : memref<48x512xf32, #tpu.memory_space<vmem>>, vector<16xf32>,
          %add3A_296 = arith.constant 384 : i32
          %add3A_297 = vector.broadcast %add3A_296 : i32 to vector<16xi32>
          %add3A_298 = arith.addi %add3A_103, %add3A_297 : vector<16xi32>
          %gather3A_299 = tpu.vector_load_idx %arg5[%add3A_298] : memref<73728xf32, #tpu.memory_space<vmem>>[vector<16xi32>], vector<16xf32>,
          %swap3A_300 = arith.constant 24 : i32
          %swap3A_301 = arith.index_cast %swap3A_300 : i32 to index
          %swap3A_302 = arith.index_cast %mul3A_105 : i32 to index
          %swap3A_303 = tpu.vector_load %arg9[%swap3A_301, %swap3A_302] {strides = array<i32>} : memref<48x512xf32, #tpu.memory_space<vmem>>, vector<16xf32>,
          tpu.vector_store %arg9[%swap3A_301, %swap3A_302], %gather3A_299 {strides = array<i32>} : memref<48x512xf32, #tpu.memory_space<vmem>>, vector<16xf32>,
          %add3A_304 = arith.constant 400 : i32
          %add3A_305 = vector.broadcast %add3A_304 : i32 to vector<16xi32>
          %add3A_306 = arith.addi %add3A_103, %add3A_305 : vector<16xi32>
          %gather3A_307 = tpu.vector_load_idx %arg5[%add3A_306] : memref<73728xf32, #tpu.memory_space<vmem>>[vector<16xi32>], vector<16xf32>,
          %swap3A_308 = arith.constant 25 : i32
          %swap3A_309 = arith.index_cast %swap3A_308 : i32 to index
          %swap3A_310 = arith.index_cast %mul3A_105 : i32 to index
          %swap3A_311 = tpu.vector_load %arg9[%swap3A_309, %swap3A_310] {strides = array<i32>} : memref<48x512xf32, #tpu.memory_space<vmem>>, vector<16xf32>,
          tpu.vector_store %arg9[%swap3A_309, %swap3A_310], %gather3A_307 {strides = array<i32>} : memref<48x512xf32, #tpu.memory_space<vmem>>, vector<16xf32>,
          %add3A_312 = arith.constant 416 : i32
          %add3A_313 = vector.broadcast %add3A_312 : i32 to vector<16xi32>
          %add3A_314 = arith.addi %add3A_103, %add3A_313 : vector<16xi32>
          %gather3A_315 = tpu.vector_load_idx %arg5[%add3A_314] : memref<73728xf32, #tpu.memory_space<vmem>>[vector<16xi32>], vector<16xf32>,
          %swap3A_316 = arith.constant 26 : i32
          %swap3A_317 = arith.index_cast %swap3A_316 : i32 to index
          %swap3A_318 = arith.index_cast %mul3A_105 : i32 to index
          %swap3A_319 = tpu.vector_load %arg9[%swap3A_317, %swap3A_318] {strides = array<i32>} : memref<48x512xf32, #tpu.memory_space<vmem>>, vector<16xf32>,
          tpu.vector_store %arg9[%swap3A_317, %swap3A_318], %gather3A_315 {strides = array<i32>} : memref<48x512xf32, #tpu.memory_space<vmem>>, vector<16xf32>,
          %add3A_320 = arith.constant 432 : i32
          %add3A_321 = vector.broadcast %add3A_320 : i32 to vector<16xi32>
          %add3A_322 = arith.addi %add3A_103, %add3A_321 : vector<16xi32>
          %gather3A_323 = tpu.vector_load_idx %arg5[%add3A_322] : memref<73728xf32, #tpu.memory_space<vmem>>[vector<16xi32>], vector<16xf32>,
          %swap3A_324 = arith.constant 27 : i32
          %swap3A_325 = arith.index_cast %swap3A_324 : i32 to index
          %swap3A_326 = arith.index_cast %mul3A_105 : i32 to index
          %swap3A_327 = tpu.vector_load %arg9[%swap3A_325, %swap3A_326] {strides = array<i32>} : memref<48x512xf32, #tpu.memory_space<vmem>>, vector<16xf32>,
          tpu.vector_store %arg9[%swap3A_325, %swap3A_326], %gather3A_323 {strides = array<i32>} : memref<48x512xf32, #tpu.memory_space<vmem>>, vector<16xf32>,
          %add3A_328 = arith.constant 448 : i32
          %add3A_329 = vector.broadcast %add3A_328 : i32 to vector<16xi32>
          %add3A_330 = arith.addi %add3A_103, %add3A_329 : vector<16xi32>
          %gather3A_331 = tpu.vector_load_idx %arg5[%add3A_330] : memref<73728xf32, #tpu.memory_space<vmem>>[vector<16xi32>], vector<16xf32>,
          %swap3A_332 = arith.constant 28 : i32
          %swap3A_333 = arith.index_cast %swap3A_332 : i32 to index
          %swap3A_334 = arith.index_cast %mul3A_105 : i32 to index
          %swap3A_335 = tpu.vector_load %arg9[%swap3A_333, %swap3A_334] {strides = array<i32>} : memref<48x512xf32, #tpu.memory_space<vmem>>, vector<16xf32>,
          tpu.vector_store %arg9[%swap3A_333, %swap3A_334], %gather3A_331 {strides = array<i32>} : memref<48x512xf32, #tpu.memory_space<vmem>>, vector<16xf32>,
          %add3A_336 = arith.constant 464 : i32
          %add3A_337 = vector.broadcast %add3A_336 : i32 to vector<16xi32>
          %add3A_338 = arith.addi %add3A_103, %add3A_337 : vector<16xi32>
          %gather3A_339 = tpu.vector_load_idx %arg5[%add3A_338] : memref<73728xf32, #tpu.memory_space<vmem>>[vector<16xi32>], vector<16xf32>,
          %swap3A_340 = arith.constant 29 : i32
          %swap3A_341 = arith.index_cast %swap3A_340 : i32 to index
          %swap3A_342 = arith.index_cast %mul3A_105 : i32 to index
          %swap3A_343 = tpu.vector_load %arg9[%swap3A_341, %swap3A_342] {strides = array<i32>} : memref<48x512xf32, #tpu.memory_space<vmem>>, vector<16xf32>,
          tpu.vector_store %arg9[%swap3A_341, %swap3A_342], %gather3A_339 {strides = array<i32>} : memref<48x512xf32, #tpu.memory_space<vmem>>, vector<16xf32>,
          %add3A_344 = arith.constant 480 : i32
          %add3A_345 = vector.broadcast %add3A_344 : i32 to vector<16xi32>
          %add3A_346 = arith.addi %add3A_103, %add3A_345 : vector<16xi32>
          %gather3A_347 = tpu.vector_load_idx %arg5[%add3A_346] : memref<73728xf32, #tpu.memory_space<vmem>>[vector<16xi32>], vector<16xf32>,
          %swap3A_348 = arith.constant 30 : i32
          %swap3A_349 = arith.index_cast %swap3A_348 : i32 to index
          %swap3A_350 = arith.index_cast %mul3A_105 : i32 to index
          %swap3A_351 = tpu.vector_load %arg9[%swap3A_349, %swap3A_350] {strides = array<i32>} : memref<48x512xf32, #tpu.memory_space<vmem>>, vector<16xf32>,
          tpu.vector_store %arg9[%swap3A_349, %swap3A_350], %gather3A_347 {strides = array<i32>} : memref<48x512xf32, #tpu.memory_space<vmem>>, vector<16xf32>,
          %add3A_352 = arith.constant 496 : i32
          %add3A_353 = vector.broadcast %add3A_352 : i32 to vector<16xi32>
          %add3A_354 = arith.addi %add3A_103, %add3A_353 : vector<16xi32>
          %gather3A_355 = tpu.vector_load_idx %arg5[%add3A_354] : memref<73728xf32, #tpu.memory_space<vmem>>[vector<16xi32>], vector<16xf32>,
          %swap3A_356 = arith.constant 31 : i32
          %swap3A_357 = arith.index_cast %swap3A_356 : i32 to index
          %swap3A_358 = arith.index_cast %mul3A_105 : i32 to index
          %swap3A_359 = tpu.vector_load %arg9[%swap3A_357, %swap3A_358] {strides = array<i32>} : memref<48x512xf32, #tpu.memory_space<vmem>>, vector<16xf32>,
          tpu.vector_store %arg9[%swap3A_357, %swap3A_358], %gather3A_355 {strides = array<i32>} : memref<48x512xf32, #tpu.memory_space<vmem>>, vector<16xf32>,
          %add3A_360 = arith.constant 512 : i32
          %add3A_361 = vector.broadcast %add3A_360 : i32 to vector<16xi32>
          %add3A_362 = arith.addi %add3A_103, %add3A_361 : vector<16xi32>
          %gather3A_363 = tpu.vector_load_idx %arg5[%add3A_362] : memref<73728xf32, #tpu.memory_space<vmem>>[vector<16xi32>], vector<16xf32>,
          %swap3A_364 = arith.constant 32 : i32
          %swap3A_365 = arith.index_cast %swap3A_364 : i32 to index
          %swap3A_366 = arith.index_cast %mul3A_105 : i32 to index
          %swap3A_367 = tpu.vector_load %arg9[%swap3A_365, %swap3A_366] {strides = array<i32>} : memref<48x512xf32, #tpu.memory_space<vmem>>, vector<16xf32>,
          tpu.vector_store %arg9[%swap3A_365, %swap3A_366], %gather3A_363 {strides = array<i32>} : memref<48x512xf32, #tpu.memory_space<vmem>>, vector<16xf32>,
          %add3A_368 = arith.constant 528 : i32
          %add3A_369 = vector.broadcast %add3A_368 : i32 to vector<16xi32>
          %add3A_370 = arith.addi %add3A_103, %add3A_369 : vector<16xi32>
          %gather3A_371 = tpu.vector_load_idx %arg5[%add3A_370] : memref<73728xf32, #tpu.memory_space<vmem>>[vector<16xi32>], vector<16xf32>,
          %swap3A_372 = arith.constant 33 : i32
          %swap3A_373 = arith.index_cast %swap3A_372 : i32 to index
          %swap3A_374 = arith.index_cast %mul3A_105 : i32 to index
          %swap3A_375 = tpu.vector_load %arg9[%swap3A_373, %swap3A_374] {strides = array<i32>} : memref<48x512xf32, #tpu.memory_space<vmem>>, vector<16xf32>,
          tpu.vector_store %arg9[%swap3A_373, %swap3A_374], %gather3A_371 {strides = array<i32>} : memref<48x512xf32, #tpu.memory_space<vmem>>, vector<16xf32>,
          %add3A_376 = arith.constant 544 : i32
          %add3A_377 = vector.broadcast %add3A_376 : i32 to vector<16xi32>
          %add3A_378 = arith.addi %add3A_103, %add3A_377 : vector<16xi32>
          %gather3A_379 = tpu.vector_load_idx %arg5[%add3A_378] : memref<73728xf32, #tpu.memory_space<vmem>>[vector<16xi32>], vector<16xf32>,
          %swap3A_380 = arith.constant 34 : i32
          %swap3A_381 = arith.index_cast %swap3A_380 : i32 to index
          %swap3A_382 = arith.index_cast %mul3A_105 : i32 to index
          %swap3A_383 = tpu.vector_load %arg9[%swap3A_381, %swap3A_382] {strides = array<i32>} : memref<48x512xf32, #tpu.memory_space<vmem>>, vector<16xf32>,
          tpu.vector_store %arg9[%swap3A_381, %swap3A_382], %gather3A_379 {strides = array<i32>} : memref<48x512xf32, #tpu.memory_space<vmem>>, vector<16xf32>,
          %add3A_384 = arith.constant 560 : i32
          %add3A_385 = vector.broadcast %add3A_384 : i32 to vector<16xi32>
          %add3A_386 = arith.addi %add3A_103, %add3A_385 : vector<16xi32>
          %gather3A_387 = tpu.vector_load_idx %arg5[%add3A_386] : memref<73728xf32, #tpu.memory_space<vmem>>[vector<16xi32>], vector<16xf32>,
          %swap3A_388 = arith.constant 35 : i32
          %swap3A_389 = arith.index_cast %swap3A_388 : i32 to index
          %swap3A_390 = arith.index_cast %mul3A_105 : i32 to index
          %swap3A_391 = tpu.vector_load %arg9[%swap3A_389, %swap3A_390] {strides = array<i32>} : memref<48x512xf32, #tpu.memory_space<vmem>>, vector<16xf32>,
          tpu.vector_store %arg9[%swap3A_389, %swap3A_390], %gather3A_387 {strides = array<i32>} : memref<48x512xf32, #tpu.memory_space<vmem>>, vector<16xf32>,
          %add3A_392 = arith.constant 576 : i32
          %add3A_393 = vector.broadcast %add3A_392 : i32 to vector<16xi32>
          %add3A_394 = arith.addi %add3A_103, %add3A_393 : vector<16xi32>
          %gather3A_395 = tpu.vector_load_idx %arg5[%add3A_394] : memref<73728xf32, #tpu.memory_space<vmem>>[vector<16xi32>], vector<16xf32>,
          %swap3A_396 = arith.constant 36 : i32
          %swap3A_397 = arith.index_cast %swap3A_396 : i32 to index
          %swap3A_398 = arith.index_cast %mul3A_105 : i32 to index
          %swap3A_399 = tpu.vector_load %arg9[%swap3A_397, %swap3A_398] {strides = array<i32>} : memref<48x512xf32, #tpu.memory_space<vmem>>, vector<16xf32>,
          tpu.vector_store %arg9[%swap3A_397, %swap3A_398], %gather3A_395 {strides = array<i32>} : memref<48x512xf32, #tpu.memory_space<vmem>>, vector<16xf32>,
          %add3A_400 = arith.constant 592 : i32
          %add3A_401 = vector.broadcast %add3A_400 : i32 to vector<16xi32>
          %add3A_402 = arith.addi %add3A_103, %add3A_401 : vector<16xi32>
          %gather3A_403 = tpu.vector_load_idx %arg5[%add3A_402] : memref<73728xf32, #tpu.memory_space<vmem>>[vector<16xi32>], vector<16xf32>,
          %swap3A_404 = arith.constant 37 : i32
          %swap3A_405 = arith.index_cast %swap3A_404 : i32 to index
          %swap3A_406 = arith.index_cast %mul3A_105 : i32 to index
          %swap3A_407 = tpu.vector_load %arg9[%swap3A_405, %swap3A_406] {strides = array<i32>} : memref<48x512xf32, #tpu.memory_space<vmem>>, vector<16xf32>,
          tpu.vector_store %arg9[%swap3A_405, %swap3A_406], %gather3A_403 {strides = array<i32>} : memref<48x512xf32, #tpu.memory_space<vmem>>, vector<16xf32>,
          %add3A_408 = arith.constant 608 : i32
          %add3A_409 = vector.broadcast %add3A_408 : i32 to vector<16xi32>
          %add3A_410 = arith.addi %add3A_103, %add3A_409 : vector<16xi32>
          %gather3A_411 = tpu.vector_load_idx %arg5[%add3A_410] : memref<73728xf32, #tpu.memory_space<vmem>>[vector<16xi32>], vector<16xf32>,
          %swap3A_412 = arith.constant 38 : i32
          %swap3A_413 = arith.index_cast %swap3A_412 : i32 to index
          %swap3A_414 = arith.index_cast %mul3A_105 : i32 to index
          %swap3A_415 = tpu.vector_load %arg9[%swap3A_413, %swap3A_414] {strides = array<i32>} : memref<48x512xf32, #tpu.memory_space<vmem>>, vector<16xf32>,
          tpu.vector_store %arg9[%swap3A_413, %swap3A_414], %gather3A_411 {strides = array<i32>} : memref<48x512xf32, #tpu.memory_space<vmem>>, vector<16xf32>,
          %add3A_416 = arith.constant 624 : i32
          %add3A_417 = vector.broadcast %add3A_416 : i32 to vector<16xi32>
          %add3A_418 = arith.addi %add3A_103, %add3A_417 : vector<16xi32>
          %gather3A_419 = tpu.vector_load_idx %arg5[%add3A_418] : memref<73728xf32, #tpu.memory_space<vmem>>[vector<16xi32>], vector<16xf32>,
          %swap3A_420 = arith.constant 39 : i32
          %swap3A_421 = arith.index_cast %swap3A_420 : i32 to index
          %swap3A_422 = arith.index_cast %mul3A_105 : i32 to index
          %swap3A_423 = tpu.vector_load %arg9[%swap3A_421, %swap3A_422] {strides = array<i32>} : memref<48x512xf32, #tpu.memory_space<vmem>>, vector<16xf32>,
          tpu.vector_store %arg9[%swap3A_421, %swap3A_422], %gather3A_419 {strides = array<i32>} : memref<48x512xf32, #tpu.memory_space<vmem>>, vector<16xf32>,
          %add3A_424 = arith.constant 640 : i32
          %add3A_425 = vector.broadcast %add3A_424 : i32 to vector<16xi32>
          %add3A_426 = arith.addi %add3A_103, %add3A_425 : vector<16xi32>
          %gather3A_427 = tpu.vector_load_idx %arg5[%add3A_426] : memref<73728xf32, #tpu.memory_space<vmem>>[vector<16xi32>], vector<16xf32>,
          %swap3A_428 = arith.constant 40 : i32
          %swap3A_429 = arith.index_cast %swap3A_428 : i32 to index
          %swap3A_430 = arith.index_cast %mul3A_105 : i32 to index
          %swap3A_431 = tpu.vector_load %arg9[%swap3A_429, %swap3A_430] {strides = array<i32>} : memref<48x512xf32, #tpu.memory_space<vmem>>, vector<16xf32>,
          tpu.vector_store %arg9[%swap3A_429, %swap3A_430], %gather3A_427 {strides = array<i32>} : memref<48x512xf32, #tpu.memory_space<vmem>>, vector<16xf32>,
          %add3A_432 = arith.constant 656 : i32
          %add3A_433 = vector.broadcast %add3A_432 : i32 to vector<16xi32>
          %add3A_434 = arith.addi %add3A_103, %add3A_433 : vector<16xi32>
          %gather3A_435 = tpu.vector_load_idx %arg5[%add3A_434] : memref<73728xf32, #tpu.memory_space<vmem>>[vector<16xi32>], vector<16xf32>,
          %swap3A_436 = arith.constant 41 : i32
          %swap3A_437 = arith.index_cast %swap3A_436 : i32 to index
          %swap3A_438 = arith.index_cast %mul3A_105 : i32 to index
          %swap3A_439 = tpu.vector_load %arg9[%swap3A_437, %swap3A_438] {strides = array<i32>} : memref<48x512xf32, #tpu.memory_space<vmem>>, vector<16xf32>,
          tpu.vector_store %arg9[%swap3A_437, %swap3A_438], %gather3A_435 {strides = array<i32>} : memref<48x512xf32, #tpu.memory_space<vmem>>, vector<16xf32>,
          %add3A_440 = arith.constant 672 : i32
          %add3A_441 = vector.broadcast %add3A_440 : i32 to vector<16xi32>
          %add3A_442 = arith.addi %add3A_103, %add3A_441 : vector<16xi32>
          %gather3A_443 = tpu.vector_load_idx %arg5[%add3A_442] : memref<73728xf32, #tpu.memory_space<vmem>>[vector<16xi32>], vector<16xf32>,
          %swap3A_444 = arith.constant 42 : i32
          %swap3A_445 = arith.index_cast %swap3A_444 : i32 to index
          %swap3A_446 = arith.index_cast %mul3A_105 : i32 to index
          %swap3A_447 = tpu.vector_load %arg9[%swap3A_445, %swap3A_446] {strides = array<i32>} : memref<48x512xf32, #tpu.memory_space<vmem>>, vector<16xf32>,
          tpu.vector_store %arg9[%swap3A_445, %swap3A_446], %gather3A_443 {strides = array<i32>} : memref<48x512xf32, #tpu.memory_space<vmem>>, vector<16xf32>,
          %add3A_448 = arith.constant 688 : i32
          %add3A_449 = vector.broadcast %add3A_448 : i32 to vector<16xi32>
          %add3A_450 = arith.addi %add3A_103, %add3A_449 : vector<16xi32>
          %gather3A_451 = tpu.vector_load_idx %arg5[%add3A_450] : memref<73728xf32, #tpu.memory_space<vmem>>[vector<16xi32>], vector<16xf32>,
          %swap3A_452 = arith.constant 43 : i32
          %swap3A_453 = arith.index_cast %swap3A_452 : i32 to index
          %swap3A_454 = arith.index_cast %mul3A_105 : i32 to index
          %swap3A_455 = tpu.vector_load %arg9[%swap3A_453, %swap3A_454] {strides = array<i32>} : memref<48x512xf32, #tpu.memory_space<vmem>>, vector<16xf32>,
          tpu.vector_store %arg9[%swap3A_453, %swap3A_454], %gather3A_451 {strides = array<i32>} : memref<48x512xf32, #tpu.memory_space<vmem>>, vector<16xf32>,
          %add3A_456 = arith.constant 704 : i32
          %add3A_457 = vector.broadcast %add3A_456 : i32 to vector<16xi32>
          %add3A_458 = arith.addi %add3A_103, %add3A_457 : vector<16xi32>
          %gather3A_459 = tpu.vector_load_idx %arg5[%add3A_458] : memref<73728xf32, #tpu.memory_space<vmem>>[vector<16xi32>], vector<16xf32>,
          %swap3A_460 = arith.constant 44 : i32
          %swap3A_461 = arith.index_cast %swap3A_460 : i32 to index
          %swap3A_462 = arith.index_cast %mul3A_105 : i32 to index
          %swap3A_463 = tpu.vector_load %arg9[%swap3A_461, %swap3A_462] {strides = array<i32>} : memref<48x512xf32, #tpu.memory_space<vmem>>, vector<16xf32>,
          tpu.vector_store %arg9[%swap3A_461, %swap3A_462], %gather3A_459 {strides = array<i32>} : memref<48x512xf32, #tpu.memory_space<vmem>>, vector<16xf32>,
          %add3A_464 = arith.constant 720 : i32
          %add3A_465 = vector.broadcast %add3A_464 : i32 to vector<16xi32>
          %add3A_466 = arith.addi %add3A_103, %add3A_465 : vector<16xi32>
          %gather3A_467 = tpu.vector_load_idx %arg5[%add3A_466] : memref<73728xf32, #tpu.memory_space<vmem>>[vector<16xi32>], vector<16xf32>,
          %swap3A_468 = arith.constant 45 : i32
          %swap3A_469 = arith.index_cast %swap3A_468 : i32 to index
          %swap3A_470 = arith.index_cast %mul3A_105 : i32 to index
          %swap3A_471 = tpu.vector_load %arg9[%swap3A_469, %swap3A_470] {strides = array<i32>} : memref<48x512xf32, #tpu.memory_space<vmem>>, vector<16xf32>,
          tpu.vector_store %arg9[%swap3A_469, %swap3A_470], %gather3A_467 {strides = array<i32>} : memref<48x512xf32, #tpu.memory_space<vmem>>, vector<16xf32>,
          %add3A_472 = arith.constant 736 : i32
          %add3A_473 = vector.broadcast %add3A_472 : i32 to vector<16xi32>
          %add3A_474 = arith.addi %add3A_103, %add3A_473 : vector<16xi32>
          %gather3A_475 = tpu.vector_load_idx %arg5[%add3A_474] : memref<73728xf32, #tpu.memory_space<vmem>>[vector<16xi32>], vector<16xf32>,
          %swap3A_476 = arith.constant 46 : i32
          %swap3A_477 = arith.index_cast %swap3A_476 : i32 to index
          %swap3A_478 = arith.index_cast %mul3A_105 : i32 to index
          %swap3A_479 = tpu.vector_load %arg9[%swap3A_477, %swap3A_478] {strides = array<i32>} : memref<48x512xf32, #tpu.memory_space<vmem>>, vector<16xf32>,
          tpu.vector_store %arg9[%swap3A_477, %swap3A_478], %gather3A_475 {strides = array<i32>} : memref<48x512xf32, #tpu.memory_space<vmem>>, vector<16xf32>,
          %add3A_480 = arith.constant 752 : i32
          %add3A_481 = vector.broadcast %add3A_480 : i32 to vector<16xi32>
          %add3A_482 = arith.addi %add3A_103, %add3A_481 : vector<16xi32>
          %gather3A_483 = tpu.vector_load_idx %arg5[%add3A_482] : memref<73728xf32, #tpu.memory_space<vmem>>[vector<16xi32>], vector<16xf32>,
          %swap3A_484 = arith.constant 47 : i32
          %swap3A_485 = arith.index_cast %swap3A_484 : i32 to index
          %swap3A_486 = arith.index_cast %mul3A_105 : i32 to index
          %swap3A_487 = tpu.vector_load %arg9[%swap3A_485, %swap3A_486] {strides = array<i32>} : memref<48x512xf32, #tpu.memory_space<vmem>>, vector<16xf32>,
          tpu.vector_store %arg9[%swap3A_485, %swap3A_486], %gather3A_483 {strides = array<i32>} : memref<48x512xf32, #tpu.memory_space<vmem>>, vector<16xf32>,
        }
        %scan3A_75 = arith.constant 32 : i32
        %mul3A_76 = arith.constant 512 : i32
        %mul3A_77 = arith.muli %scan3A_34, %mul3A_76 : i32
        %add3A_78 = arith.addi %mul3A_2, %mul3A_77 : i32
        %dma_start3A_79 = arith.constant 0 : i32
        %dma_start3A_80 = tpu.memref_slice %arg4[%dma_start3A_79, %add3A_78] : memref<54x3276800xf32, #tpu.memory_space<hbm>> -> memref<48x512xf32, #tpu.memory_space<hbm>>
        %dma_start3A_81 = arith.constant 0 : i32
        %dma_start3A_82 = tpu.memref_slice %arg4[%dma_start3A_81, %add3A_78] : memref<54x3276800xf32, #tpu.memory_space<hbm>> -> memref<48x512xf32, #tpu.memory_space<hbm>>
        tpu.enqueue_dma source(%arg9 : memref<48x512xf32, #tpu.memory_space<vmem>>) target(%dma_start3A_82 : memref<48x512xf32, #tpu.memory_space<hbm>>) target_semaphore(%arg12 : memref<!tpu.dma_semaphore, #tpu.memory_space<semaphore_mem>>)
      } else {
      }
    }
    %scan3A_22 = arith.constant 200 : i32
    %add3A_23 = arith.constant 101376 : i32
    %add3A_24 = arith.addi %mul3A_2, %add3A_23 : i32
    %dma_wait3A = arith.constant 0 : i32
    %dma_wait3A_25 = tpu.memref_slice %arg4[%dma_wait3A, %add3A_24] : memref<54x3276800xf32, #tpu.memory_space<hbm>> -> memref<48x512xf32, #tpu.memory_space<hbm>>
    %dma_wait3A_26 = arith.constant 0 : i32
    %dma_wait3A_27 = tpu.memref_slice %arg4[%dma_wait3A_26, %add3A_24] : memref<54x3276800xf32, #tpu.memory_space<hbm>> -> memref<48x512xf32, #tpu.memory_space<hbm>>
    tpu.wait_dma2 semaphore(%arg12 : memref<!tpu.dma_semaphore, #tpu.memory_space<semaphore_mem>>) src(%arg8 : memref<48x512xf32, #tpu.memory_space<vmem>>) dst(%dma_wait3A_27 : memref<48x512xf32, #tpu.memory_space<hbm>>)
    %add3A_28 = arith.constant 101888 : i32
    %add3A_29 = arith.addi %mul3A_2, %add3A_28 : i32
    %dma_wait3A_30 = arith.constant 0 : i32
    %dma_wait3A_31 = tpu.memref_slice %arg4[%dma_wait3A_30, %add3A_29] : memref<54x3276800xf32, #tpu.memory_space<hbm>> -> memref<48x512xf32, #tpu.memory_space<hbm>>
    %dma_wait3A_32 = arith.constant 0 : i32
    %dma_wait3A_33 = tpu.memref_slice %arg4[%dma_wait3A_32, %add3A_29] : memref<54x3276800xf32, #tpu.memory_space<hbm>> -> memref<48x512xf32, #tpu.memory_space<hbm>>
    tpu.wait_dma2 semaphore(%arg12 : memref<!tpu.dma_semaphore, #tpu.memory_space<semaphore_mem>>) src(%arg9 : memref<48x512xf32, #tpu.memory_space<vmem>>) dst(%dma_wait3A_33 : memref<48x512xf32, #tpu.memory_space<hbm>>)
    return
  }
}

module attributes {stable_mosaic.version = 14 : i64} {
  func.func @_tc_feat_kernel(%arg0: i32, %arg1: i32, %arg2: memref<172800x8x128xf32, #tpu.memory_space<any>>, %arg3: memref<200x8x128xf32, #tpu.memory_space<vmem>>, %arg4: memref<200x8x128xf32, #tpu.memory_space<vmem>>) attributes {dimension_semantics = [#tpu.dimension_semantics<arbitrary>, #tpu.dimension_semantics<arbitrary>], iteration_bounds = array<i64: 6, 16>, scalar_prefetch = 0 : i64, scratch_operands = 0 : i64, tpu.core_type = #tpu.core_type<tc>, window_params = [{}, {transform_indices = @transform_1, window_bounds = array<i64: 200, 8, 128>}, {transform_indices = @transform_2, window_bounds = array<i64: 200, 8, 128>}]} {
    %get3A = arith.constant 0 : index
    %get3A_0 = arith.constant 0 : index
    %get3A_1 = arith.constant 0 : index
    %get3A_2 = vector.load %arg3[%get3A, %get3A_0, %get3A_1] : memref<200x8x128xf32, #tpu.memory_space<vmem>>, vector<200x8x128xf32>
    %lt3A = arith.constant 2 : i32
    %lt3A_3 = arith.cmpi slt, %arg0, %lt3A : i32
    %lt3A_4 = arith.constant 4 : i32
    %lt3A_5 = arith.cmpi slt, %arg0, %lt3A_4 : i32
    %jit3A = arith.constant 0.261799395 : f32
    %jit3A_6 = arith.constant 0.104719758 : f32
    %select_n3A = arith.select %lt3A_5, %jit3A, %jit3A_6 : f32
    %jit3A_7 = arith.constant 0.202683404 : f32
    %select_n3A_8 = arith.select %lt3A_3, %jit3A_7, %select_n3A : f32
    %rem3A = arith.constant 2 : i32
    %rem3A_9 = arith.remsi %arg0, %rem3A : i32
    %eq3A = arith.constant 0 : i32
    %eq3A_10 = arith.cmpi eq, %rem3A_9, %eq3A : i32
    %jit3A_11 = arith.constant 0.000000e+00 : f32
    %jit3A_12 = arith.constant 1.57079637 : f32
    %select_n3A_13 = arith.select %eq3A_10, %jit3A_11, %jit3A_12 : f32
    %mul3A = vector.broadcast %select_n3A_8 : f32 to vector<200x8x128xf32>
    %mul3A_14 = arith.mulf %get3A_2, %mul3A : vector<200x8x128xf32>
    %add3A = vector.broadcast %select_n3A_13 : f32 to vector<200x8x128xf32>
    %add3A_15 = arith.addf %mul3A_14, %add3A : vector<200x8x128xf32>
    %sin3A = math.sin %add3A_15 : vector<200x8x128xf32>
    %swap3A = arith.constant 0 : index
    %swap3A_16 = arith.constant 0 : index
    %swap3A_17 = arith.constant 0 : index
    %swap3A_18 = vector.load %arg4[%swap3A, %swap3A_16, %swap3A_17] : memref<200x8x128xf32, #tpu.memory_space<vmem>>, vector<200x8x128xf32>
    tpu.vector_store %arg4[%swap3A, %swap3A_16, %swap3A_17], %sin3A {strides = array<i32>} : memref<200x8x128xf32, #tpu.memory_space<vmem>>, vector<200x8x128xf32>,
    return
  }
  func.func @transform_1(%arg0: i32, %arg1: i32) -> (i32, i32, i32) {
    %jit3A = arith.constant 2 : i32
    %div3A = arith.divsi %arg0, %jit3A : i32
    %sign3A = arith.constant 0 : i32
    %sign3A_0 = arith.cmpi sgt, %arg0, %sign3A : i32
    %sign3A_1 = arith.extui %sign3A_0 : i1 to i32
    %sign3A_2 = arith.constant 0 : i32
    %sign3A_3 = arith.cmpi slt, %arg0, %sign3A_2 : i32
    %sign3A_4 = arith.extui %sign3A_3 : i1 to i32
    %sign3A_5 = arith.subi %sign3A_1, %sign3A_4 : i32
    %sign3A_6 = arith.constant 0 : i32
    %sign3A_7 = arith.cmpi sgt, %jit3A, %sign3A_6 : i32
    %sign3A_8 = arith.extui %sign3A_7 : i1 to i32
    %sign3A_9 = arith.constant 0 : i32
    %sign3A_10 = arith.cmpi slt, %jit3A, %sign3A_9 : i32
    %sign3A_11 = arith.extui %sign3A_10 : i1 to i32
    %sign3A_12 = arith.subi %sign3A_8, %sign3A_11 : i32
    %ne3A = arith.cmpi ne, %sign3A_5, %sign3A_12 : i32
    %rem3A = arith.remsi %arg0, %jit3A : i32
    %ne3A_13 = arith.constant 0 : i32
    %ne3A_14 = arith.cmpi ne, %rem3A, %ne3A_13 : i32
    %and3A = arith.andi %ne3A, %ne3A_14 : i1
    %sub3A = arith.constant 1 : i32
    %sub3A_15 = arith.subi %div3A, %sub3A : i32
    %select_n3A = arith.select %and3A, %sub3A_15, %div3A : i32
    %add3A = arith.constant 1 : i32
    %add3A_16 = arith.addi %add3A, %select_n3A : i32
    %mul3A = arith.constant 16 : i32
    %mul3A_17 = arith.muli %add3A_16, %mul3A : i32
    %add3A_18 = arith.addi %mul3A_17, %arg1 : i32
    %c0_i32 = arith.constant 0 : i32
    %c0_i32_19 = arith.constant 0 : i32
    %c0_i32_20 = arith.constant 0 : i32
    return %add3A_18, %c0_i32, %c0_i32_19 : i32, i32, i32
  }
  func.func @transform_2(%arg0: i32, %arg1: i32) -> (i32, i32, i32) {
    %add3A = arith.constant 48 : i32
    %add3A_0 = arith.addi %add3A, %arg0 : i32
    %mul3A = arith.constant 16 : i32
    %mul3A_1 = arith.muli %add3A_0, %mul3A : i32
    %add3A_2 = arith.addi %mul3A_1, %arg1 : i32
    %c0_i32 = arith.constant 0 : i32
    %c0_i32_3 = arith.constant 0 : i32
    %c0_i32_4 = arith.constant 0 : i32
    return %add3A_2, %c0_i32, %c0_i32_3 : i32, i32, i32
  }
}

</mosaic_0001>

<sc_bundles>
// kernel: kernel.4.cloned.1.call-start
scs
__scs_entry_jumppad:
0x0: {  	(pc) =	sbr.rel $0x88, $3  }
0x1: {  	(tag) =	ssettag $0x0;
	lr =	simm.s32 $0x1  }
0x2: {  	[smem:$0x3F9E] =	sst lr;
	_ =	strace $0xD0000000  }
0x3: {  	_ = 	snop  }
0x4: {  	_ = 	snop  }
0x5: {  	_ = 	snop  }
0x6: {  	_ = 	snop  }
0x7: {  	_ = 	snop  }
__scs_overlays_trampoline_lowered:
0x8: {  	[smem:$0x3FAD] =	sst s0  }
0x9: {  	[smem:$0x3FAE] =	sst s1  }
0xa: {  	[smem:$0x3FAF] =	sst s2  }
0xb: {  	[smem:$0x3FB0] =	sst s3  }
0xc: {  	[smem:$0x3FB1] =	sst s4  }
0xd: {  	[smem:$0x3FB2] =	sst s5  }
0xe: {  	[smem:$0x3FB3] =	sst s6  }
0xf: {  	[smem:$0x3FB4] =	sst s7  }
0x10: {  	[smem:$0x3FB5] =	sst s8  }
0x11: {  	[smem:$0x3FB6] =	sst s9;
	s0 =	simm.s32 @!p0 $0x0  }
0x12: {  	s1 =	sld [smem:$0x3F9C];
	s0 =	simm.s32 @p0 $0x1  }
0x13: {  	[smem:$0x3FB7] =	sst s0;
	s0 =	simm.s32 @!p1 $0x0  }
0x14: {  	s2 =	sld [smem:$0x3F9B];
	s0 =	simm.s32 @p1 $0x1  }
0x15: {  	[smem:$0x3FB8] =	sst s0;
	s0 =	simm.s32 @!p2 $0x0  }
0x16: {  	s3 =	sld [smem:$0x3FDB];
	s0 =	simm.s32 @p2 $0x1  }
0x17: {  	s4 =	simm.s32 $0x1BF5;
	[smem:$0x3FBA] =	sst s0  }
0x18: {  	s0 =	sld [smem:$0x3F9D];
	_ =	swait.ge [sflag:s4], $0x0  }
0x19: {  	s7 =	sld [smem:$0x3F9E]  }
0x1a: {  	s8 =	sadd.s32 $0xFFFFE003, lr  }
0x1b: {  	s9 =	sadd.s32 $0xFFFFFEF7, lr;
	s5 =	simm.s32 $0xFFFFFFFF;
	p2 =	slt.u32 s8, $0xFFFFF086  }
0x1c: {  	p1 =	slt.u32 s9, $0xF7A;
	s5 =	simm.s32 @!p2 $0x0  }
0x1d: {  	s5 =	simm.s32 @p1 $0x1;
	p0 =	seq.s32 s7, s2  }
0x1e: {  	s7 =	smul.u32 @!p0 $0xF7A, s2;
	p2 =	seq.s32 @!p0 s5, $0x0  }
0x1f: {  	s9 =	smul.u32 $0xF7A, s1;
	s8 =	simm.s32 @!p0 $0x1BF5;
	p2 =	por !p2, p0  }
0x20: {  	[sflag:s8] =	ssyncset.s32 @!p0 $0xFFFFF086;
	s6 =	sadd.s32 @!p0 s3, s7;
	s7 =	simm.s32 @!p0 $0x108  }
0x21: {  	s3 =	sadd.s32 s3, s9;
	s6 =	sadd.s32 @!p0 $0x88, s6;
	s7 =	simm.s32 @p2 $0x1082  }
0x22: {  	[simem:s7], [sflag:s8] =	dma.local @!p0 [hbm:s6], $0xF7A  }
0x23: {  	s9 =	sor.u32 $0xD0000000, s2;
	s6 =	simm.s32 $0x108;
	_ =	swait.ge @!p0 [sflag:s8], $0x0  }
0x24: {  	s3 =	sadd.s32 $0x88, s3;
	s6 =	simm.s32 @!p1 $0x1082;
	[sflag:s4] =	ssyncset.s32 $0xFFFFF086  }
0x25: {  	[simem:s6], [sflag:s4] =	dma.local [hbm:s3], $0xF7A  }
0x26: {  	[smem:$0x3F9E] =	sst s1;
	(tag) =	ssettag s2;
	_ =	strace s9  }
0x27: {  	s1 =	sld [smem:$0x3FAE]  }
0x28: {  	s2 =	sld [smem:$0x3FAF]  }
0x29: {  	s4 =	sld [smem:$0x3FB1]  }
0x2a: {  	p0 =	seq.s32 s5, $0x0;
	s5 =	sld [smem:$0x3FB2]  }
0x2b: {  	s6 =	sld [smem:$0x3FB3]  }
0x2c: {  	s7 =	sld [smem:$0x3FB4]  }
0x2d: {  	s3 =	simm.s32 $0x108;
	s8 =	sld [smem:$0x3FB5]  }
0x2e: {  	s3 =	simm.s32 @!p0 $0x1082;
	s9 =	sld [smem:$0x3FB6]  }
0x2f: {  	lr =	sadd.s32 s0, s3;
	s0 =	sld [smem:$0x3FAD]  }
0x30: {  	s3 =	sld [smem:$0x3FB0]  }
0x31: {  	[smem:$0x3FB9] =	sst s10  }
0x32: {  	s10 =	sld [smem:$0x3FB7];
	_ =	sdelay $0x3  }
0x33: {  	p0 =	seq.s32 s10, $0x1;
	s10 =	sld [smem:$0x3FB9];
	_ =	sdelay $0x3  }
0x34: {  	[smem:$0x3FB9] =	sst s10  }
0x35: {  	s10 =	sld [smem:$0x3FB8];
	_ =	sdelay $0x3  }
0x36: {  	p1 =	seq.s32 s10, $0x1;
	s10 =	sld [smem:$0x3FB9];
	_ =	sdelay $0x3  }
0x37: {  	[smem:$0x3FB9] =	sst s10  }
0x38: {  	s10 =	sld [smem:$0x3FBA]  }
0x39: {  	_ = 	snop;
	(pc) =	sbr.ind lr, $3  }
0x3a: {  	_ = 	snop  }
0x3b: {  	_ = 	snop  }
0x3c: {  	p2 =	seq.s32 s10, $0x1;
	s10 =	sld [smem:$0x3FB9]  }
0x3d: {  	_ =	shalt  }
0x3e: {  	_ =	shalt  }
0x3f: {  	_ =	shalt  }
0x40: {  	_ =	shalt  }
0x41: {  	_ =	shalt  }
0x42: {  	_ =	shalt  }
0x43: {  	_ =	shalt  }
0x44: {  	_ =	shalt  }
0x45: {  	_ =	shalt  }
0x46: {  	_ =	shalt  }
0x47: {  	_ =	shalt  }
0x48: {  	_ =	shalt  }
0x49: {  	_ =	shalt  }
0x4a: {  	_ =	shalt  }
0x4b: {  	_ =	shalt  }
0x4c: {  	_ =	shalt  }
0x4d: {  	_ =	shalt  }
0x4e: {  	_ =	shalt  }
0x4f: {  	_ =	shalt  }
0x50: {  	_ =	shalt  }
0x51: {  	_ =	shalt  }
0x52: {  	_ =	shalt  }
0x53: {  	_ =	shalt  }
0x54: {  	_ =	shalt  }
0x55: {  	_ =	shalt  }
0x56: {  	_ =	shalt  }
0x57: {  	_ =	shalt  }
0x58: {  	_ =	shalt  }
0x59: {  	_ =	shalt  }
0x5a: {  	_ =	shalt  }
0x5b: {  	_ =	shalt  }
0x5c: {  	_ =	shalt  }
0x5d: {  	_ =	shalt  }
0x5e: {  	_ =	shalt  }
0x5f: {  	_ =	shalt  }
0x60: {  	_ =	shalt  }
0x61: {  	_ =	shalt  }
0x62: {  	_ =	shalt  }
0x63: {  	_ =	shalt  }
0x64: {  	_ =	shalt  }
0x65: {  	_ =	shalt  }
0x66: {  	_ =	shalt  }
0x67: {  	_ =	shalt  }
0x68: {  	_ =	shalt  }
0x69: {  	_ =	shalt  }
0x6a: {  	_ =	shalt  }
0x6b: {  	_ =	shalt  }
0x6c: {  	_ =	shalt  }
0x6d: {  	_ =	shalt  }
0x6e: {  	_ =	shalt  }
0x6f: {  	_ =	shalt  }
0x70: {  	_ =	shalt  }
0x71: {  	_ =	shalt  }
0x72: {  	_ =	shalt  }
0x73: {  	_ =	shalt  }
0x74: {  	_ =	shalt  }
0x75: {  	_ =	shalt  }
0x76: {  	_ =	shalt  }
0x77: {  	_ =	shalt  }
0x78: {  	_ =	shalt  }
0x79: {  	_ =	shalt  }
0x7a: {  	_ =	shalt  }
0x7b: {  	_ =	shalt  }
0x7c: {  	_ =	shalt  }
0x7d: {  	_ =	shalt  }
0x7e: {  	_ =	shalt  }
0x7f: {  	_ =	shalt  }
0x80: {  	_ =	shalt  }
0x81: {  	_ =	shalt  }
0x82: {  	_ =	shalt  }
0x83: {  	_ =	shalt  }
0x84: {  	_ =	shalt  }
0x85: {  	_ =	shalt  }
0x86: {  	_ =	shalt  }
0x87: {  	_ =	shalt  }
.Lfunc_end0:
.L_simem_size_0:
called_computation_lowered:
.L_overlay_start_0:
0x88: {  	s2 =	sld [smem:$0x3FD9]  }
0x89: {  	s3 =	sld [smem:$0x3FFE];
	_ =	sdelay $0x1  }
0x8a: {  	s1 =	srdreg.scid  }
0x8b: {  	s0 =	sand.u32 $0x1, s1  }
0x8c: {  	s17 =	sshll.u32 s0, $0xA;
	s2 =	sadd.s32 s3, s2  }
0x8d: {  	s2 =	sadd.s32 s2, s17  }
0x8e: {  	[smem:$0x3FC5] =	sst s2  }
0x8f: {  	_ = 	snop  }
0x90: {  	s2 =	sld [smem:$0x3FC9]  }
0x91: {  	s18 =	sld [smem:$0x3FD0];
	(tm) =	ssettm $0x1  }
0x92: {  	s4 =	sld [smem:$0x3FFB];
	_ =	sdelay $0x3  }
0x93: {  	_ =	strace s4  }
0x94: {  	s4 =	sld [smem:$0x3FFC];
	_ =	sdelay $0x3  }
0x95: {  	_ =	strace s4  }
0x96: {  	s4 =	sld [smem:$0x3FFD];
	_ =	sdelay $0x3  }
0x97: {  	_ =	strace s4  }
0x98: {  	_ =	strace $0x8FFFFFFF  }
0x99: {  	s19 =	sld [smem:$0x3FDB];
	_ =	sdelay $0x1  }
0x9a: {  	s5 =	simm.s32 $_scs_section_size  }
0x9b: {  	s6 =	simm.s32 $_size__tile_overlayer_lowered;
	s7 =	simm.s32 $_tile_overlayer_lowered  }
0x9c: {  	s22 =	simm.s32 $0x1BFF;
	s21 =	sshll.u32 s7, $0x1;
	s4 =	sadd.s32 s5, s19  }
0x9d: {  	s8 =	simm.s32 $0x0;
	s20 =	sshll.u32 s6, $0x1;
	s6 =	sadd.s32 s21, s4  }
0x9e: {  	[timem:s8], [sflag:s22] =	dma.local [hbm:s6], s20  }
0x9f: {  	_ =	swait.ge [sflag:s22], s20  }
0xa0: {  	s5 =	ssub.s32 $0x0, s20;
	[sflag:s22] =	ssyncset.done $0x0  }
0xa1: {  	[sflag:s22] =	ssyncadd.s32 s5;
	_ =	sdelay $0x1  }
0xa2: {  	s23 =	simm.s32 $0x1B8B  }
0xa3: {  	_ =	swait.ge [sflag:s23], $0x1  }
0xa4: {  	[sflag:s23] =	ssyncset.done $0x0  }
0xa5: {  	s25 =	simm.s32 $0x1B8E;
	s24 =	sld [smem:$0x3FFE];
	[sflag:s23] =	ssyncadd.s32 $0xFFFFFFFF  }
0xa6: {  	s26 =	simm.s32 $execute0_lowered;
	[smem:$0x3FD2] =	sst s25  }
0xa7: {  	s6 =	sshll.u32 s26, $0x1;
	_ =	strace $0x80000046;
	[dreg:$0x1] =	wrdreg $0xFFFFFFFF  }
0xa8: {  	s28 =	simm.s32 $_size_execute0_lowered;
	s4 =	sadd.s32 s4, s6;
	[dreg:$0x0] =	wrdreg $0x0  }
0xa9: {  	s6 =	sshll.u32 s28, $0x1;
	[dreg:$0x2] =	wrdreg s4  }
0xaa: {  	[dreg:$0x3] =	wrdreg s6  }
0xab: {  	[dreg:$0x4] =	wrdreg $0xC0  }
0xac: {  	_ =	task [dreg:s8], $0x5FFFF  }
0xad: {  	[dreg:$0x1] =	wrdreg $0xFFFFFFFF  }
0xae: {  	[dreg:$0x0] =	wrdreg $0x60  }
0xaf: {  	[dreg:$0x2] =	wrdreg s24  }
0xb0: {  	[dreg:$0x3] =	wrdreg s2  }
0xb1: {  	[dreg:$0x4] =	wrdreg s18  }
0xb2: {  	[dreg:$0x5] =	wrdreg $0x9  }
0xb3: {  	_ =	task.clear_ibuf [dreg:s8], $0x6FFFF;
	_ =	strace $0x90000046  }
0xb4: {  	s29 =	simm.s32 $0x9;
	_ =	strace $0x80000048  }
0xb5: {  	_ =	swait.ge [sflag:s29], $0x1  }
0xb6: {  	[sflag:s29] =	ssyncadd.s32 $0xFFFFFFFF  }
0xb7: {  	_ =	strace $0x90000048  }
0xb8: {  	_ =	sfence  }
0xb9: {  	s30 =	sld [smem:$0x0];
	_ =	sdelay $0x2  }
0xba: {  	s31 =	sshll.u32 s1, $0xD;
	s1 =	sshrl.u32 s1, $0x2  }
0xbb: {  	s3 =	sand.u32 $0x4000, s31;
	s1 =	sadd.s32 s1, s30  }
0xbc: {  	s0 =	sor.u32 s3, s0;
	s1 =	sshll.u32 s1, $0x11  }
0xbd: {  	s0 =	sor.u32 s1, s0  }
0xbe: {  	s0 =	sadd.s32 $0x8F2B, s0  }
0xbf: {  	[sflag:s0] =	ssyncadd.remote.s32 $0x1  }
0xc0: {  	_ =	sfence.sel $0xFFFF  }
0xc1: {  	[dreg:$0x0] =	wrdreg $0xFFFFFFFF;
	(pc) =	sbr.abs _section_cstart, $3  }
0xc2: {  	[dreg:$0x1] =	wrdreg $0xFFFFFFFF  }
0xc3: {  	_ =	task.clear_ibuf [dreg:s8], $0x2FFFF;
	_ =	strace $0x9FFFFFFF  }
0xc4: {  	(tm) =	ssettm $0x7FFFFFFF  }
0xc5: {  	_ =	shalt  }
tec
execute0_lowered:
.L_overlay_start_1:
0x0: {  	(tag) =	ssettag $0x1  }
0x1: {  	v0 =	vlaneseq.u32  }
0x2: {  	v1 =	vand.u32 $0x7, v0  }
0x3: {  	v3 =	vor.u32 $0x10, v0;
	v4 =	vor.u32 $0x20, v0;
	v5 =	vor.u32 $0x30, v0  }
0x4: {  	v6 =	vor.u32 $0x40, v0;
	v7 =	vor.u32 $0x50, v0;
	v8 =	vor.u32 $0x60, v0  }
0x5: {  	v9 =	vor.u32 $0x70, v0;
	v10 =	vor.u32 $0x80, v0;
	v11 =	vor.u32 $0x90, v0  }
0x6: {  	v12 =	vor.u32 $0xA0, v0;
	v13 =	vor.u32 $0xB0, v0;
	v14 =	vor.u32 $0xC0, v0  }
0x7: {  	s7 =	rddreg [dreg:$0x0];
	v15 =	vor.u32 $0xD0, v0;
	v16 =	vor.u32 $0xE0, v0;
	v17 =	vor.u32 $0xF0, v0  }
0x8: {  	s1 =	rddreg [dreg:$0x1];
	v18 =	vor.u32 $0x100, v0;
	v19 =	vor.u32 $0x110, v0;
	v20 =	vor.u32 $0x120, v0  }
0x9: {  	s0 =	srdreg.scid;
	s3 =	rddreg [dreg:$0x2];
	v21 =	vor.u32 $0x130, v0;
	v22 =	vor.u32 $0x140, v0;
	v23 =	vor.u32 $0x150, v0  }
0xa: {  	s5 =	simm.s32 $0x0;
	s11 =	simm.s32 $0x12000;
	s6 =	sand.u32 $0x1, s0;
	v24 =	vor.u32 $0x160, v0;
	v25 =	vor.u32 $0x170, v0;
	v26 =	vor.u32 $0x180, v0  }
0xb: {  	s12 =	simm.s32 $0x12400;
	s0 =	stileid.u32;
	v27 =	vor.u32 $0x190, v0;
	v28 =	vor.u32 $0x1A0, v0;
	v29 =	vor.u32 $0x1B0, v0;
	s2 =	sshll.u32 s6, $0x4  }
0xc: {  	s13 =	simm.s32 $0x1;
	s14 =	simm.s32 $0x2;
	v30 =	vor.u32 $0x1C0, v0;
	v31 =	vor.u32 $0x1D0, v0;
	v32 =	vor.u32 $0x1E0, v0;
	s2 =	sor.u32 s0, s2  }
0xd: {  	s15 =	simm.s32 $0x3;
	s16 =	simm.s32 $0x200;
	v33 =	vor.u32 $0x1F0, v0;
	v34 =	vor.u32 $0x200, v0;
	v35 =	vor.u32 $0x210, v0;
	s4 =	smul.u32 $0x19000, s2  }
.Ltmp0:
0xe: {  	s17 =	simm.s32 $0x320000;
	s18 =	simm.s32 $0x0;
	v36 =	vor.u32 $0x220, v0;
	v37 =	vor.u32 $0x230, v0;
	v38 =	vor.u32 $0x240, v0;
	(pc) =	sbr.rel .LBB2_1-.Ltmp0, $4  }
0xf: {  	[smem:$0x7FF] =	sst s5;
	s7 =	sadd.s32 $0x800, s7;
	v39 =	vor.u32 $0x250, v0;
	v40 =	vor.u32 $0x260, v0;
	v41 =	vor.u32 $0x270, v0;
	s6 =	ssub.s32 $0x2, s6  }
0x10: {  	v42 =	vor.u32 $0x280, v0;
	v43 =	vor.u32 $0x290, v0;
	v44 =	vor.u32 $0x2A0, v0;
	s8 =	sshrl.u32 s6, $0x1;
	s2 =	rddreg [dreg:$0x3];
	s9 =	sshrl.u32 s4, $0x3  }
0x11: {  	v45 =	vor.u32 $0x2B0, v0;
	v46 =	vor.u32 $0x2C0, v0;
	v47 =	vor.u32 $0x2D0, v0;
	_ =	strace $0x80000047;
	s10 =	ssub.s32 s6, s8;
	s6 =	sadd.s32 s1, s9  }
0x12: {  	v48 =	vor.u32 $0x2E0, v0;
	v49 =	vor.u32 $0x2F0, v0;
	v2 =	vor.u32 $0xFFFFFF08, v1;
	s9 =	smax.u32 s10, $0x1;
	s10 =	simm.s32 $0x4;
	s8 =	sadd.s32 $0x190000, s6  }
.LBB2_15:
0x13: {  	s18 =	sadd.s32 $0x1, s18  }
0x14: {  	_ =	swait.ge [sflag:s15], $0x6000;
	p0 =	sne.s32 s18, s9  }
.Ltmp1:
0x15: {  	[sflag:s15] =	ssyncset.done $0x0;
	(pc) =	sbr.rel @!p0 .LBB2_16-.Ltmp1, $4  }
0x16: {  	[sflag:s15] =	ssyncadd.s32 $0xFFFFA000  }
0x17: {  	_ =	swait.ge [sflag:s15], $0x6000  }
0x18: {  	[sflag:s15] =	ssyncset.done $0x0  }
0x19: {  	[sflag:s15] =	ssyncadd.s32 $0xFFFFA000  }
.LBB2_1:
0x1a: {  	[tilespmem:s5], [sflag:$0x4] =	stream.linear.gather [hbm4b:s7+s5], $0x12000, $0x38;
	[tilespmem:$0x1E800] =	vst v63  }
0x1b: {  	_ =	swait.ge [sflag:s10], $0x12000  }
.Ltmp2:
0x1c: {  	[sflag:s10] =	ssyncset.done $0x0;
	(pc) =	sbr.rel .LBB2_2-.Ltmp2, $4  }
0x1d: {  	[sflag:s10] =	ssyncadd.s32 $0xFFFEE000  }
0x1e: {  	[tilespmem:s11], [sflag:$0x1] =	stream.linear.gather [hbm4b:s6+s5], $0x200, $0x38;
	[tilespmem:$0x1E800] =	vst v63  }
0x1f: {  	p0 =	por $0x0, $0x0;
	s21 =	simm.s32 $0x0  }
0x20: {  	[tilespmem:s12], [sflag:$0x2] =	stream.linear.gather [hbm4b:s8+s5], $0x200, $0x38;
	[tilespmem:$0x1E800] =	vst v63  }
.LBB2_5:
0x21: {  	s23 =	simm.s32 $0x0  }
.LBB2_8:
0x22: {  	v53 =	vld [tilespmem:s23+$0x12000]  }
0x23: {  	v54 =	vld [tilespmem:s23+$0x12400]  }
0x24: {  	v52 =	vor.u32 @p1 v1, v52;
	_ =	sdelay $0x2  }
0x25: {  	v53 =	vtrunc.f32 v53  }
0x26: {  	[tilespmem:s21+$0x18200] =	vst @p1 v51;
	v50 =	vadd.s32 @p1 v49, v50;
	v63 =	vtrunc.f32 v54;
	v62 =	vcvt.f32.s32 v53  }
0x27: {  	v50 =	vand.u32 @p1 $0xFFFFFFF8, v50;
	v52 =	vld.idx.msk @p1 [tilespmem:v52+s5+$0x0], $0xffff;
	v53 =	vcvt.f32.s32 v63  }
0x28: {  	v54 =	vor.u32 @p1 v1, v50;
	v56 =	vshll.u32 v62, $0x3  }
0x29: {  	v50 =	vadd.s32 v53, v56  }
0x2a: {  	v50 =	vadd.s32 $0xFFFFFFF8, v50  }
0x2b: {  	v50 =	vmul.u32 $0x300, v50  }
0x2c: {  	[tilespmem:s21+$0x18400] =	vst @p1 v52  }
0x2d: {  	v51 =	vld.idx.msk @p1 [tilespmem:v54+s5+$0x0], $0xffff;
	v57 =	vor.u32 v0, v50  }
0x2e: {  	v52 =	vand.u32 v2, v57;
	_ =	sdelay $0x3  }
0x2f: {  	[tilespmem:s21+$0x18600] =	vst @p1 v51  }
0x30: {  	v51 =	vld.idx.msk [tilespmem:v52+s5+$0x0], $0xffff  }
0x31: {  	v58 =	vor.u32 v3, v50;
	_ =	sdelay $0x3  }
0x32: {  	[tilespmem:s23+$0x12800] =	vst v51  }
0x33: {  	v51 =	vld.idx.msk [tilespmem:v58+s5+$0x0], $0xffff  }
0x34: {  	v59 =	vor.u32 v4, v50;
	_ =	sdelay $0x3  }
0x35: {  	[tilespmem:s23+$0x12A00] =	vst v51  }
0x36: {  	v51 =	vld.idx.msk [tilespmem:v59+s5+$0x0], $0xffff  }
0x37: {  	v60 =	vor.u32 v5, v50;
	_ =	sdelay $0x3  }
0x38: {  	[tilespmem:s23+$0x12C00] =	vst v51  }
0x39: {  	v51 =	vld.idx.msk [tilespmem:v60+s5+$0x0], $0xffff  }
0x3a: {  	v61 =	vor.u32 v6, v50;
	_ =	sdelay $0x3  }
0x3b: {  	[tilespmem:s23+$0x12E00] =	vst v51  }
0x3c: {  	v51 =	vld.idx.msk [tilespmem:v61+s5+$0x0], $0xffff  }
0x3d: {  	v62 =	vor.u32 v7, v50;
	_ =	sdelay $0x3  }
0x3e: {  	[tilespmem:s23+$0x13000] =	vst v51  }
0x3f: {  	v51 =	vld.idx.msk [tilespmem:v62+s5+$0x0], $0xffff  }
0x40: {  	v63 =	vor.u32 v8, v50;
	_ =	sdelay $0x3  }
0x41: {  	[tilespmem:s23+$0x13200] =	vst v51  }
0x42: {  	v51 =	vld.idx.msk [tilespmem:v63+s5+$0x0], $0xffff  }
0x43: {  	v56 =	vor.u32 v9, v50;
	_ =	sdelay $0x3  }
0x44: {  	[tilespmem:s23+$0x13400] =	vst v51  }
0x45: {  	v51 =	vld.idx.msk [tilespmem:v56+s5+$0x0], $0xffff  }
0x46: {  	v57 =	vor.u32 v10, v50;
	_ =	sdelay $0x3  }
0x47: {  	[tilespmem:s23+$0x13600] =	vst v51  }
0x48: {  	v51 =	vld.idx.msk [tilespmem:v57+s5+$0x0], $0xffff  }
0x49: {  	v58 =	vor.u32 v11, v50;
	_ =	sdelay $0x3  }
0x4a: {  	[tilespmem:s23+$0x13800] =	vst v51  }
0x4b: {  	v51 =	vld.idx.msk [tilespmem:v58+s5+$0x0], $0xffff  }
0x4c: {  	v59 =	vor.u32 v12, v50;
	_ =	sdelay $0x3  }
0x4d: {  	[tilespmem:s23+$0x13A00] =	vst v51  }
0x4e: {  	v51 =	vld.idx.msk [tilespmem:v59+s5+$0x0], $0xffff  }
0x4f: {  	v60 =	vor.u32 v13, v50;
	_ =	sdelay $0x3  }
0x50: {  	[tilespmem:s23+$0x13C00] =	vst v51  }
0x51: {  	v51 =	vld.idx.msk [tilespmem:v60+s5+$0x0], $0xffff  }
0x52: {  	v61 =	vor.u32 v14, v50;
	_ =	sdelay $0x3  }
0x53: {  	[tilespmem:s23+$0x13E00] =	vst v51  }
0x54: {  	v51 =	vld.idx.msk [tilespmem:v61+s5+$0x0], $0xffff  }
0x55: {  	v62 =	vor.u32 v15, v50;
	_ =	sdelay $0x3  }
0x56: {  	[tilespmem:s23+$0x14000] =	vst v51  }
0x57: {  	v51 =	vld.idx.msk [tilespmem:v62+s5+$0x0], $0xffff  }
0x58: {  	v63 =	vor.u32 v16, v50;
	_ =	sdelay $0x3  }
0x59: {  	[tilespmem:s23+$0x14200] =	vst v51  }
0x5a: {  	v51 =	vld.idx.msk [tilespmem:v63+s5+$0x0], $0xffff  }
0x5b: {  	v56 =	vor.u32 v17, v50;
	_ =	sdelay $0x3  }
0x5c: {  	v57 =	vadd.s32 v18, v50;
	[tilespmem:s23+$0x14400] =	vst v51  }
0x5d: {  	v51 =	vand.u32 $0xFFFFFF08, v57;
	v52 =	vld.idx.msk [tilespmem:v56+s5+$0x0], $0xffff  }
0x5e: {  	v51 =	vor.u32 v1, v51;
	_ =	sdelay $0x3  }
0x5f: {  	v58 =	vadd.s32 v19, v50;
	[tilespmem:s23+$0x14600] =	vst v52  }
0x60: {  	v52 =	vand.u32 $0xFFFFFF18, v58;
	v51 =	vld.idx.msk [tilespmem:v51+s5+$0x0], $0xffff  }
0x61: {  	v52 =	vor.u32 v1, v52;
	_ =	sdelay $0x3  }
0x62: {  	v59 =	vadd.s32 v20, v50;
	[tilespmem:s23+$0x14800] =	vst v51  }
0x63: {  	v51 =	vand.u32 $0xFFFFFF28, v59;
	v52 =	vld.idx.msk [tilespmem:v52+s5+$0x0], $0xffff  }
0x64: {  	v51 =	vor.u32 v1, v51;
	_ =	sdelay $0x3  }
0x65: {  	v60 =	vadd.s32 v21, v50;
	[tilespmem:s23+$0x14A00] =	vst v52  }
0x66: {  	v52 =	vand.u32 $0xFFFFFF38, v60;
	v51 =	vld.idx.msk [tilespmem:v51+s5+$0x0], $0xffff  }
0x67: {  	v52 =	vor.u32 v1, v52;
	_ =	sdelay $0x3  }
0x68: {  	v61 =	vadd.s32 v22, v50;
	[tilespmem:s23+$0x14C00] =	vst v51  }
0x69: {  	v51 =	vand.u32 $0xFFFFFF48, v61;
	v52 =	vld.idx.msk [tilespmem:v52+s5+$0x0], $0xffff  }
0x6a: {  	v51 =	vor.u32 v1, v51;
	_ =	sdelay $0x3  }
0x6b: {  	v62 =	vadd.s32 v23, v50;
	[tilespmem:s23+$0x14E00] =	vst v52  }
0x6c: {  	v52 =	vand.u32 $0xFFFFFF58, v62;
	v51 =	vld.idx.msk [tilespmem:v51+s5+$0x0], $0xffff  }
0x6d: {  	v52 =	vor.u32 v1, v52;
	_ =	sdelay $0x3  }
0x6e: {  	v63 =	vadd.s32 v24, v50;
	[tilespmem:s23+$0x15000] =	vst v51  }
0x6f: {  	v51 =	vand.u32 $0xFFFFFF68, v63;
	v52 =	vld.idx.msk [tilespmem:v52+s5+$0x0], $0xffff  }
0x70: {  	v51 =	vor.u32 v1, v51;
	_ =	sdelay $0x3  }
0x71: {  	v56 =	vadd.s32 v25, v50;
	[tilespmem:s23+$0x15200] =	vst v52  }
0x72: {  	v52 =	vand.u32 $0xFFFFFF78, v56;
	v51 =	vld.idx.msk [tilespmem:v51+s5+$0x0], $0xffff  }
0x73: {  	v52 =	vor.u32 v1, v52;
	_ =	sdelay $0x3  }
0x74: {  	v57 =	vadd.s32 v26, v50;
	[tilespmem:s23+$0x15400] =	vst v51  }
0x75: {  	v51 =	vand.u32 $0xFFFFFF88, v57;
	v52 =	vld.idx.msk [tilespmem:v52+s5+$0x0], $0xffff  }
0x76: {  	v51 =	vor.u32 v1, v51;
	_ =	sdelay $0x3  }
0x77: {  	v58 =	vadd.s32 v27, v50;
	[tilespmem:s23+$0x15600] =	vst v52  }
0x78: {  	v52 =	vand.u32 $0xFFFFFF98, v58;
	v51 =	vld.idx.msk [tilespmem:v51+s5+$0x0], $0xffff  }
0x79: {  	v52 =	vor.u32 v1, v52;
	_ =	sdelay $0x3  }
0x7a: {  	v59 =	vadd.s32 v28, v50;
	[tilespmem:s23+$0x15800] =	vst v51  }
0x7b: {  	v51 =	vand.u32 $0xFFFFFFA8, v59;
	v52 =	vld.idx.msk [tilespmem:v52+s5+$0x0], $0xffff  }
0x7c: {  	v51 =	vor.u32 v1, v51;
	_ =	sdelay $0x3  }
0x7d: {  	v60 =	vadd.s32 v29, v50;
	[tilespmem:s23+$0x15A00] =	vst v52  }
0x7e: {  	v52 =	vand.u32 $0xFFFFFFB8, v60;
	v51 =	vld.idx.msk [tilespmem:v51+s5+$0x0], $0xffff  }
0x7f: {  	v52 =	vor.u32 v1, v52;
	_ =	sdelay $0x3  }
0x80: {  	v61 =	vadd.s32 v30, v50;
	[tilespmem:s23+$0x15C00] =	vst v51  }
0x81: {  	v51 =	vand.u32 $0xFFFFFFC8, v61;
	v52 =	vld.idx.msk [tilespmem:v52+s5+$0x0], $0xffff  }
0x82: {  	v51 =	vor.u32 v1, v51;
	_ =	sdelay $0x3  }
0x83: {  	v62 =	vadd.s32 v31, v50;
	[tilespmem:s23+$0x15E00] =	vst v52  }
0x84: {  	v52 =	vand.u32 $0xFFFFFFD8, v62;
	v51 =	vld.idx.msk [tilespmem:v51+s5+$0x0], $0xffff  }
0x85: {  	v52 =	vor.u32 v1, v52;
	_ =	sdelay $0x3  }
0x86: {  	v63 =	vadd.s32 v32, v50;
	[tilespmem:s23+$0x16000] =	vst v51  }
0x87: {  	v51 =	vand.u32 $0xFFFFFFE8, v63;
	v52 =	vld.idx.msk [tilespmem:v52+s5+$0x0], $0xffff  }
0x88: {  	v51 =	vor.u32 v1, v51;
	_ =	sdelay $0x3  }
0x89: {  	v56 =	vadd.s32 v33, v50;
	[tilespmem:s23+$0x16200] =	vst v52  }
0x8a: {  	v52 =	vand.u32 $0xFFFFFFF8, v56;
	v51 =	vld.idx.msk [tilespmem:v51+s5+$0x0], $0xffff  }
0x8b: {  	v52 =	vor.u32 v1, v52;
	_ =	sdelay $0x3  }
0x8c: {  	v57 =	vadd.s32 v34, v50;
	[tilespmem:s23+$0x16400] =	vst v51  }
0x8d: {  	v51 =	vand.u32 $0xFFFFFF08, v57;
	v52 =	vld.idx.msk [tilespmem:v52+s5+$0x0], $0xffff  }
0x8e: {  	v51 =	vor.u32 v1, v51;
	_ =	sdelay $0x3  }
0x8f: {  	v58 =	vadd.s32 v35, v50;
	[tilespmem:s23+$0x16600] =	vst v52  }
0x90: {  	v52 =	vand.u32 $0xFFFFFF18, v58;
	v51 =	vld.idx.msk [tilespmem:v51+s5+$0x0], $0xffff  }
0x91: {  	v52 =	vor.u32 v1, v52;
	_ =	sdelay $0x3  }
0x92: {  	v59 =	vadd.s32 v36, v50;
	[tilespmem:s23+$0x16800] =	vst v51  }
0x93: {  	v51 =	vand.u32 $0xFFFFFF28, v59;
	v52 =	vld.idx.msk [tilespmem:v52+s5+$0x0], $0xffff  }
0x94: {  	v51 =	vor.u32 v1, v51;
	_ =	sdelay $0x3  }
0x95: {  	v60 =	vadd.s32 v37, v50;
	[tilespmem:s23+$0x16A00] =	vst v52  }
0x96: {  	v52 =	vand.u32 $0xFFFFFF38, v60;
	v51 =	vld.idx.msk [tilespmem:v51+s5+$0x0], $0xffff  }
0x97: {  	v52 =	vor.u32 v1, v52;
	_ =	sdelay $0x3  }
0x98: {  	v61 =	vadd.s32 v38, v50;
	[tilespmem:s23+$0x16C00] =	vst v51  }
0x99: {  	v51 =	vand.u32 $0xFFFFFF48, v61;
	v52 =	vld.idx.msk [tilespmem:v52+s5+$0x0], $0xffff  }
0x9a: {  	v51 =	vor.u32 v1, v51;
	_ =	sdelay $0x3  }
0x9b: {  	v62 =	vadd.s32 v39, v50;
	[tilespmem:s23+$0x16E00] =	vst v52  }
0x9c: {  	v52 =	vand.u32 $0xFFFFFF58, v62;
	v51 =	vld.idx.msk [tilespmem:v51+s5+$0x0], $0xffff  }
0x9d: {  	v52 =	vor.u32 v1, v52;
	_ =	sdelay $0x3  }
0x9e: {  	v63 =	vadd.s32 v40, v50;
	[tilespmem:s23+$0x17000] =	vst v51  }
0x9f: {  	v51 =	vand.u32 $0xFFFFFF68, v63;
	v52 =	vld.idx.msk [tilespmem:v52+s5+$0x0], $0xffff  }
0xa0: {  	v51 =	vor.u32 v1, v51;
	_ =	sdelay $0x3  }
0xa1: {  	v56 =	vadd.s32 v41, v50;
	[tilespmem:s23+$0x17200] =	vst v52  }
0xa2: {  	v52 =	vand.u32 $0xFFFFFF78, v56;
	v51 =	vld.idx.msk [tilespmem:v51+s5+$0x0], $0xffff  }
0xa3: {  	v52 =	vor.u32 v1, v52;
	_ =	sdelay $0x3  }
0xa4: {  	v57 =	vadd.s32 v42, v50;
	[tilespmem:s23+$0x17400] =	vst v51  }
0xa5: {  	v51 =	vand.u32 $0xFFFFFF88, v57;
	v52 =	vld.idx.msk [tilespmem:v52+s5+$0x0], $0xffff  }
0xa6: {  	v51 =	vor.u32 v1, v51;
	_ =	sdelay $0x3  }
0xa7: {  	v58 =	vadd.s32 v43, v50;
	[tilespmem:s23+$0x17600] =	vst v52  }
0xa8: {  	v52 =	vand.u32 $0xFFFFFF98, v58;
	v51 =	vld.idx.msk [tilespmem:v51+s5+$0x0], $0xffff  }
0xa9: {  	v52 =	vor.u32 v1, v52;
	_ =	sdelay $0x3  }
0xaa: {  	v59 =	vadd.s32 v44, v50;
	[tilespmem:s23+$0x17800] =	vst v51  }
0xab: {  	v51 =	vand.u32 $0xFFFFFFA8, v59;
	v52 =	vld.idx.msk [tilespmem:v52+s5+$0x0], $0xffff  }
0xac: {  	v51 =	vor.u32 v1, v51;
	_ =	sdelay $0x3  }
0xad: {  	v60 =	vadd.s32 v45, v50;
	[tilespmem:s23+$0x17A00] =	vst v52  }
0xae: {  	v52 =	vand.u32 $0xFFFFFFB8, v60;
	v51 =	vld.idx.msk [tilespmem:v51+s5+$0x0], $0xffff  }
0xaf: {  	v52 =	vor.u32 v1, v52;
	_ =	sdelay $0x3  }
0xb0: {  	v61 =	vadd.s32 v46, v50;
	[tilespmem:s23+$0x17C00] =	vst v51  }
0xb1: {  	v51 =	vand.u32 $0xFFFFFFC8, v61;
	v52 =	vld.idx.msk [tilespmem:v52+s5+$0x0], $0xffff  }
0xb2: {  	v51 =	vor.u32 v1, v51;
	_ =	sdelay $0x3  }
0xb3: {  	v62 =	vadd.s32 v47, v50;
	[tilespmem:s23+$0x17E00] =	vst v52  }
0xb4: {  	v52 =	vand.u32 $0xFFFFFFD8, v62;
	v51 =	vld.idx.msk [tilespmem:v51+s5+$0x0], $0xffff  }
0xb5: {  	v52 =	vor.u32 v1, v52;
	_ =	sdelay $0x3  }
0xb6: {  	v63 =	vadd.s32 v48, v50;
	[tilespmem:s23+$0x18000] =	vst v51  }
0xb7: {  	v51 =	vand.u32 $0xFFFFFFE8, v63;
	v52 =	vld.idx.msk [tilespmem:v52+s5+$0x0], $0xffff  }
0xb8: {  	v51 =	vor.u32 v1, v51;
	_ =	sdelay $0x3  }
0xb9: {  	v50 =	vadd.s32 v49, v50;
	[tilespmem:s23+$0x18200] =	vst v52  }
0xba: {  	v50 =	vand.u32 $0xFFFFFFF8, v50;
	v51 =	vld.idx.msk [tilespmem:v51+s5+$0x0], $0xffff  }
0xbb: {  	v50 =	vor.u32 v1, v50;
	_ =	sdelay $0x3  }
0xbc: {  	[tilespmem:s23+$0x18400] =	vst v51  }
0xbd: {  	v50 =	vld.idx.msk [tilespmem:v50+s5+$0x0], $0xffff;
	_ =	sdelay $0x4  }
0xbe: {  	s21 =	simm.s32 $0x12800;
	[tilespmem:s23+$0x18600] =	vst v50  }
.LBB2_14:
0xbf: {  	p1 =	sne.s32 s19, $0xC8  }
.Ltmp3:
0xc0: {  	s20 =	sadd.s32 s4, s20;
	(pc) =	sbr.rel @!p1 .LBB2_15-.Ltmp3, $4  }
0xc1: {  	s20 =	sshrl.u32 s20, $0x3  }
0xc2: {  	s20 =	sadd.s32 s3, s20  }
0xc3: {  	[hbm4b:s20+s16] =	stream.strided.scatter [tilespmem:s21], [sflag:$0x3], $0x6000, s17, s16, $0x38;
	[tilespmem:$0x1E800] =	vst v63  }
0xc4: {  	p0 =	por !p0, !p0;
	s21 =	smov.u32 s19  }
.LBB2_2:
0xc5: {  	_ =	swait.ge [sflag:s13], $0x200;
	p1 =	seq.s32 s21, $0xC7  }
.Ltmp4:
0xc6: {  	[sflag:s13] =	ssyncset.done $0x0;
	(pc) =	sbr.rel @!p1 .LBB2_3-.Ltmp4, $4  }
0xc7: {  	[sflag:s13] =	ssyncadd.s32 $0xFFFFFE00  }
0xc8: {  	_ =	swait.ge [sflag:s14], $0x200  }
0xc9: {  	[sflag:s14] =	ssyncset.done $0x0  }
0xca: {  	s20 =	sshll.u32 s21, $0x9;
	s19 =	sadd.s32 $0x1, s21;
	[sflag:s14] =	ssyncadd.s32 $0xFFFFFE00  }
.LBB2_10:
0xcb: {  	_ =	swait.ge [sflag:s15], $0x6000  }
0xcc: {  	[sflag:s15] =	ssyncset.done $0x0  }
0xcd: {  	[sflag:s15] =	ssyncadd.s32 $0xFFFFA000  }
.LBB2_11:
0xce: {  	s21 =	simm.s32 $0x1  }
0xcf: {  	s21 =	simm.s32 @!p0 $0x0  }
0xd0: {  	s21 =	sshll.u32 s21, $0x9  }
0xd1: {  	s23 =	sor.u32 $0x12000, s21  }
0xd2: {  	s22 =	sor.u32 $0x12400, s21;
	v50 =	vmov s23  }
0xd3: {  	v51 =	vmov s22;
	_ =	sdelay $0x1  }
0xd4: {  	s21 =	simm.s32 $0x0  }
.LBB2_12:
0xd5: {  	s22 =	sshra.s32 s21, $0x2  }
0xd6: {  	v52 =	vld.idx.msk [tilespmem:v50+s22+$0x0 ss:$0x1], $0xffff  }
0xd7: {  	v53 =	vld.idx.msk [tilespmem:v51+s22+$0x0 ss:$0x1], $0xffff;
	_ =	sdelay $0x3  }
0xd8: {  	v52 =	vtrunc.f32 v52  }
0xd9: {  	v53 =	vtrunc.f32 v53;
	v52 =	vcvt.f32.s32 v52  }
0xda: {  	v53 =	vcvt.f32.s32 v53  }
0xdb: {  	v52 =	vshll.u32 v52, $0x3  }
0xdc: {  	v52 =	vadd.s32 v53, v52  }
0xdd: {  	v52 =	vadd.s32 $0xFFFFFFF8, v52  }
0xde: {  	v52 =	vmul.u32 $0x300, v52;
	_ =	sdelay $0x1  }
0xdf: {  	v60 =	vor.u32 v0, v52  }
0xe0: {  	v53 =	vand.u32 v2, v60;
	_ =	sdelay $0x4  }
0xe1: {  	v53 =	vld.idx.msk [tilespmem:v53+s5+$0x0], $0xffff  }
0xe2: {  	v54 =	vor.u32 v3, v52;
	_ =	sdelay $0x3  }
0xe3: {  	[tilespmem:s22+$0x18800] =	vst v53  }
0xe4: {  	v53 =	vld.idx.msk [tilespmem:v54+s5+$0x0], $0xffff  }
0xe5: {  	v61 =	vor.u32 v4, v52;
	_ =	sdelay $0x3  }
0xe6: {  	[tilespmem:s22+$0x18A00] =	vst v53  }
0xe7: {  	v53 =	vld.idx.msk [tilespmem:v61+s5+$0x0], $0xffff  }
0xe8: {  	v62 =	vor.u32 v5, v52;
	_ =	sdelay $0x3  }
0xe9: {  	[tilespmem:s22+$0x18C00] =	vst v53  }
0xea: {  	v53 =	vld.idx.msk [tilespmem:v62+s5+$0x0], $0xffff  }
0xeb: {  	v63 =	vor.u32 v6, v52;
	_ =	sdelay $0x3  }
0xec: {  	[tilespmem:s22+$0x18E00] =	vst v53  }
0xed: {  	v53 =	vld.idx.msk [tilespmem:v63+s5+$0x0], $0xffff  }
0xee: {  	v57 =	vor.u32 v7, v52;
	_ =	sdelay $0x3  }
0xef: {  	[tilespmem:s22+$0x19000] =	vst v53  }
0xf0: {  	v53 =	vld.idx.msk [tilespmem:v57+s5+$0x0], $0xffff  }
0xf1: {  	v58 =	vor.u32 v8, v52;
	_ =	sdelay $0x3  }
0xf2: {  	[tilespmem:s22+$0x19200] =	vst v53  }
0xf3: {  	v53 =	vld.idx.msk [tilespmem:v58+s5+$0x0], $0xffff  }
0xf4: {  	v59 =	vor.u32 v9, v52;
	_ =	sdelay $0x3  }
0xf5: {  	[tilespmem:s22+$0x19400] =	vst v53  }
0xf6: {  	v53 =	vld.idx.msk [tilespmem:v59+s5+$0x0], $0xffff  }
0xf7: {  	v60 =	vor.u32 v10, v52;
	_ =	sdelay $0x3  }
0xf8: {  	[tilespmem:s22+$0x19600] =	vst v53  }
0xf9: {  	v53 =	vld.idx.msk [tilespmem:v60+s5+$0x0], $0xffff  }
0xfa: {  	v61 =	vor.u32 v11, v52;
	_ =	sdelay $0x3  }
0xfb: {  	[tilespmem:s22+$0x19800] =	vst v53  }
0xfc: {  	v53 =	vld.idx.msk [tilespmem:v61+s5+$0x0], $0xffff  }
0xfd: {  	v62 =	vor.u32 v12, v52;
	_ =	sdelay $0x3  }
0xfe: {  	[tilespmem:s22+$0x19A00] =	vst v53  }
0xff: {  	v53 =	vld.idx.msk [tilespmem:v62+s5+$0x0], $0xffff  }
0x100: {  	v63 =	vor.u32 v13, v52;
	_ =	sdelay $0x3  }
0x101: {  	[tilespmem:s22+$0x19C00] =	vst v53  }
0x102: {  	v53 =	vld.idx.msk [tilespmem:v63+s5+$0x0], $0xffff  }
0x103: {  	v57 =	vor.u32 v14, v52;
	_ =	sdelay $0x3  }
0x104: {  	[tilespmem:s22+$0x19E00] =	vst v53  }
0x105: {  	v53 =	vld.idx.msk [tilespmem:v57+s5+$0x0], $0xffff  }
0x106: {  	v58 =	vor.u32 v15, v52;
	_ =	sdelay $0x3  }
0x107: {  	[tilespmem:s22+$0x1A000] =	vst v53  }
0x108: {  	v53 =	vld.idx.msk [tilespmem:v58+s5+$0x0], $0xffff  }
0x109: {  	v59 =	vor.u32 v16, v52;
	_ =	sdelay $0x3  }
0x10a: {  	[tilespmem:s22+$0x1A200] =	vst v53  }
0x10b: {  	v53 =	vld.idx.msk [tilespmem:v59+s5+$0x0], $0xffff  }
0x10c: {  	v60 =	vor.u32 v17, v52;
	_ =	sdelay $0x3  }
0x10d: {  	v61 =	vadd.s32 v18, v52;
	[tilespmem:s22+$0x1A400] =	vst v53  }
0x10e: {  	v53 =	vand.u32 $0xFFFFFF08, v61;
	v54 =	vld.idx.msk [tilespmem:v60+s5+$0x0], $0xffff  }
0x10f: {  	v53 =	vor.u32 v1, v53;
	_ =	sdelay $0x3  }
0x110: {  	v62 =	vadd.s32 v19, v52;
	[tilespmem:s22+$0x1A600] =	vst v54  }
0x111: {  	v54 =	vand.u32 $0xFFFFFF18, v62;
	v53 =	vld.idx.msk [tilespmem:v53+s5+$0x0], $0xffff  }
0x112: {  	v54 =	vor.u32 v1, v54;
	_ =	sdelay $0x3  }
0x113: {  	v63 =	vadd.s32 v20, v52;
	[tilespmem:s22+$0x1A800] =	vst v53  }
0x114: {  	v53 =	vand.u32 $0xFFFFFF28, v63;
	v54 =	vld.idx.msk [tilespmem:v54+s5+$0x0], $0xffff  }
0x115: {  	v53 =	vor.u32 v1, v53;
	_ =	sdelay $0x3  }
0x116: {  	v57 =	vadd.s32 v21, v52;
	[tilespmem:s22+$0x1AA00] =	vst v54  }
0x117: {  	v54 =	vand.u32 $0xFFFFFF38, v57;
	v53 =	vld.idx.msk [tilespmem:v53+s5+$0x0], $0xffff  }
0x118: {  	v54 =	vor.u32 v1, v54;
	_ =	sdelay $0x3  }
0x119: {  	v58 =	vadd.s32 v22, v52;
	[tilespmem:s22+$0x1AC00] =	vst v53  }
0x11a: {  	v53 =	vand.u32 $0xFFFFFF48, v58;
	v54 =	vld.idx.msk [tilespmem:v54+s5+$0x0], $0xffff  }
0x11b: {  	v53 =	vor.u32 v1, v53;
	_ =	sdelay $0x3  }
0x11c: {  	v59 =	vadd.s32 v23, v52;
	[tilespmem:s22+$0x1AE00] =	vst v54  }
0x11d: {  	v54 =	vand.u32 $0xFFFFFF58, v59;
	v53 =	vld.idx.msk [tilespmem:v53+s5+$0x0], $0xffff  }
0x11e: {  	v54 =	vor.u32 v1, v54;
	_ =	sdelay $0x3  }
0x11f: {  	v60 =	vadd.s32 v24, v52;
	[tilespmem:s22+$0x1B000] =	vst v53  }
0x120: {  	v53 =	vand.u32 $0xFFFFFF68, v60;
	v54 =	vld.idx.msk [tilespmem:v54+s5+$0x0], $0xffff  }
0x121: {  	v53 =	vor.u32 v1, v53;
	_ =	sdelay $0x3  }
0x122: {  	v61 =	vadd.s32 v25, v52;
	[tilespmem:s22+$0x1B200] =	vst v54  }
0x123: {  	v54 =	vand.u32 $0xFFFFFF78, v61;
	v53 =	vld.idx.msk [tilespmem:v53+s5+$0x0], $0xffff  }
0x124: {  	v54 =	vor.u32 v1, v54;
	_ =	sdelay $0x3  }
0x125: {  	v62 =	vadd.s32 v26, v52;
	[tilespmem:s22+$0x1B400] =	vst v53  }
0x126: {  	v53 =	vand.u32 $0xFFFFFF88, v62;
	v54 =	vld.idx.msk [tilespmem:v54+s5+$0x0], $0xffff  }
0x127: {  	v53 =	vor.u32 v1, v53;
	_ =	sdelay $0x3  }
0x128: {  	v63 =	vadd.s32 v27, v52;
	[tilespmem:s22+$0x1B600] =	vst v54  }
0x129: {  	v54 =	vand.u32 $0xFFFFFF98, v63;
	v53 =	vld.idx.msk [tilespmem:v53+s5+$0x0], $0xffff  }
0x12a: {  	v54 =	vor.u32 v1, v54;
	_ =	sdelay $0x3  }
0x12b: {  	v57 =	vadd.s32 v28, v52;
	[tilespmem:s22+$0x1B800] =	vst v53  }
0x12c: {  	v53 =	vand.u32 $0xFFFFFFA8, v57;
	v54 =	vld.idx.msk [tilespmem:v54+s5+$0x0], $0xffff  }
0x12d: {  	v53 =	vor.u32 v1, v53;
	_ =	sdelay $0x3  }
0x12e: {  	v58 =	vadd.s32 v29, v52;
	[tilespmem:s22+$0x1BA00] =	vst v54  }
0x12f: {  	v54 =	vand.u32 $0xFFFFFFB8, v58;
	v53 =	vld.idx.msk [tilespmem:v53+s5+$0x0], $0xffff  }
0x130: {  	v54 =	vor.u32 v1, v54;
	_ =	sdelay $0x3  }
0x131: {  	v59 =	vadd.s32 v30, v52;
	[tilespmem:s22+$0x1BC00] =	vst v53  }
0x132: {  	v53 =	vand.u32 $0xFFFFFFC8, v59;
	v54 =	vld.idx.msk [tilespmem:v54+s5+$0x0], $0xffff  }
0x133: {  	v53 =	vor.u32 v1, v53;
	_ =	sdelay $0x3  }
0x134: {  	v60 =	vadd.s32 v31, v52;
	[tilespmem:s22+$0x1BE00] =	vst v54  }
0x135: {  	v54 =	vand.u32 $0xFFFFFFD8, v60;
	v53 =	vld.idx.msk [tilespmem:v53+s5+$0x0], $0xffff  }
0x136: {  	v54 =	vor.u32 v1, v54;
	_ =	sdelay $0x3  }
0x137: {  	v61 =	vadd.s32 v32, v52;
	[tilespmem:s22+$0x1C000] =	vst v53  }
0x138: {  	v53 =	vand.u32 $0xFFFFFFE8, v61;
	v54 =	vld.idx.msk [tilespmem:v54+s5+$0x0], $0xffff  }
0x139: {  	v53 =	vor.u32 v1, v53;
	_ =	sdelay $0x3  }
0x13a: {  	v62 =	vadd.s32 v33, v52;
	[tilespmem:s22+$0x1C200] =	vst v54  }
0x13b: {  	v54 =	vand.u32 $0xFFFFFFF8, v62;
	v53 =	vld.idx.msk [tilespmem:v53+s5+$0x0], $0xffff  }
0x13c: {  	v54 =	vor.u32 v1, v54;
	_ =	sdelay $0x3  }
0x13d: {  	v63 =	vadd.s32 v34, v52;
	[tilespmem:s22+$0x1C400] =	vst v53  }
0x13e: {  	v53 =	vand.u32 $0xFFFFFF08, v63;
	v54 =	vld.idx.msk [tilespmem:v54+s5+$0x0], $0xffff  }
0x13f: {  	v53 =	vor.u32 v1, v53;
	_ =	sdelay $0x3  }
0x140: {  	v57 =	vadd.s32 v35, v52;
	[tilespmem:s22+$0x1C600] =	vst v54  }
0x141: {  	v54 =	vand.u32 $0xFFFFFF18, v57;
	v53 =	vld.idx.msk [tilespmem:v53+s5+$0x0], $0xffff  }
0x142: {  	v54 =	vor.u32 v1, v54;
	_ =	sdelay $0x3  }
0x143: {  	v58 =	vadd.s32 v36, v52;
	[tilespmem:s22+$0x1C800] =	vst v53  }
0x144: {  	v53 =	vand.u32 $0xFFFFFF28, v58;
	v54 =	vld.idx.msk [tilespmem:v54+s5+$0x0], $0xffff  }
0x145: {  	v53 =	vor.u32 v1, v53;
	_ =	sdelay $0x3  }
0x146: {  	v59 =	vadd.s32 v37, v52;
	[tilespmem:s22+$0x1CA00] =	vst v54  }
0x147: {  	v54 =	vand.u32 $0xFFFFFF38, v59;
	v53 =	vld.idx.msk [tilespmem:v53+s5+$0x0], $0xffff  }
0x148: {  	v54 =	vor.u32 v1, v54;
	_ =	sdelay $0x3  }
0x149: {  	v60 =	vadd.s32 v38, v52;
	[tilespmem:s22+$0x1CC00] =	vst v53  }
0x14a: {  	v53 =	vand.u32 $0xFFFFFF48, v60;
	v54 =	vld.idx.msk [tilespmem:v54+s5+$0x0], $0xffff  }
0x14b: {  	v53 =	vor.u32 v1, v53;
	_ =	sdelay $0x3  }
0x14c: {  	v61 =	vadd.s32 v39, v52;
	[tilespmem:s22+$0x1CE00] =	vst v54  }
0x14d: {  	v54 =	vand.u32 $0xFFFFFF58, v61;
	v53 =	vld.idx.msk [tilespmem:v53+s5+$0x0], $0xffff  }
0x14e: {  	v54 =	vor.u32 v1, v54;
	_ =	sdelay $0x3  }
0x14f: {  	v62 =	vadd.s32 v40, v52;
	[tilespmem:s22+$0x1D000] =	vst v53  }
0x150: {  	v53 =	vand.u32 $0xFFFFFF68, v62;
	v54 =	vld.idx.msk [tilespmem:v54+s5+$0x0], $0xffff  }
0x151: {  	v53 =	vor.u32 v1, v53;
	_ =	sdelay $0x3  }
0x152: {  	v63 =	vadd.s32 v41, v52;
	[tilespmem:s22+$0x1D200] =	vst v54  }
0x153: {  	v54 =	vand.u32 $0xFFFFFF78, v63;
	v53 =	vld.idx.msk [tilespmem:v53+s5+$0x0], $0xffff  }
0x154: {  	v54 =	vor.u32 v1, v54;
	_ =	sdelay $0x3  }
0x155: {  	v57 =	vadd.s32 v42, v52;
	[tilespmem:s22+$0x1D400] =	vst v53  }
0x156: {  	v53 =	vand.u32 $0xFFFFFF88, v57;
	v54 =	vld.idx.msk [tilespmem:v54+s5+$0x0], $0xffff  }
0x157: {  	v53 =	vor.u32 v1, v53;
	_ =	sdelay $0x3  }
0x158: {  	v58 =	vadd.s32 v43, v52;
	[tilespmem:s22+$0x1D600] =	vst v54  }
0x159: {  	v54 =	vand.u32 $0xFFFFFF98, v58;
	v53 =	vld.idx.msk [tilespmem:v53+s5+$0x0], $0xffff  }
0x15a: {  	v54 =	vor.u32 v1, v54;
	_ =	sdelay $0x3  }
0x15b: {  	v59 =	vadd.s32 v44, v52;
	[tilespmem:s22+$0x1D800] =	vst v53  }
0x15c: {  	v53 =	vand.u32 $0xFFFFFFA8, v59;
	v54 =	vld.idx.msk [tilespmem:v54+s5+$0x0], $0xffff  }
0x15d: {  	v53 =	vor.u32 v1, v53;
	_ =	sdelay $0x3  }
0x15e: {  	v60 =	vadd.s32 v45, v52;
	[tilespmem:s22+$0x1DA00] =	vst v54  }
0x15f: {  	v54 =	vand.u32 $0xFFFFFFB8, v60;
	v53 =	vld.idx.msk [tilespmem:v53+s5+$0x0], $0xffff  }
0x160: {  	v54 =	vor.u32 v1, v54;
	_ =	sdelay $0x3  }
0x161: {  	v61 =	vadd.s32 v46, v52;
	[tilespmem:s22+$0x1DC00] =	vst v53  }
0x162: {  	v53 =	vand.u32 $0xFFFFFFC8, v61;
	v54 =	vld.idx.msk [tilespmem:v54+s5+$0x0], $0xffff  }
0x163: {  	v53 =	vor.u32 v1, v53;
	_ =	sdelay $0x3  }
0x164: {  	v62 =	vadd.s32 v47, v52;
	[tilespmem:s22+$0x1DE00] =	vst v54  }
0x165: {  	v54 =	vand.u32 $0xFFFFFFD8, v62;
	v53 =	vld.idx.msk [tilespmem:v53+s5+$0x0], $0xffff  }
0x166: {  	v54 =	vor.u32 v1, v54;
	_ =	sdelay $0x3  }
0x167: {  	v63 =	vadd.s32 v48, v52;
	[tilespmem:s22+$0x1E000] =	vst v53  }
0x168: {  	v53 =	vand.u32 $0xFFFFFFE8, v63;
	v54 =	vld.idx.msk [tilespmem:v54+s5+$0x0], $0xffff  }
0x169: {  	v53 =	vor.u32 v1, v53;
	_ =	sdelay $0x3  }
0x16a: {  	v52 =	vadd.s32 v49, v52;
	[tilespmem:s22+$0x1E200] =	vst v54  }
0x16b: {  	v52 =	vand.u32 $0xFFFFFFF8, v52;
	v53 =	vld.idx.msk [tilespmem:v53+s5+$0x0], $0xffff  }
0x16c: {  	v52 =	vor.u32 v1, v52;
	_ =	sdelay $0x3  }
0x16d: {  	[tilespmem:s22+$0x1E400] =	vst v53  }
0x16e: {  	p1 =	sne.s32 s21, $0x7C0;
	v52 =	vld.idx.msk [tilespmem:v52+s5+$0x0], $0xffff  }
.Ltmp5:
0x16f: {  	_ = 	snop;
	(pc) =	sbr.rel @p1 .LBB2_12-.Ltmp5, $2  }
0x170: {  	_ =	sdelay $0x2  }
0x171: {  	s21 =	sadd.s32 $0x40, s21;
	[tilespmem:s22+$0x1E600] =	vst v52  }
.Ltmp6:
0x172: {  	(pc) =	sbr.rel .LBB2_14-.Ltmp6, $2  }
0x173: {  	_ =	sdelay $0x2  }
0x174: {  	s21 =	simm.s32 $0x18800  }
.LBB2_3:
0x175: {  	s22 =	sshll.u32 s19, $0x9;
	s31 =	sand.u32 $0x1, s21  }
0x176: {  	s22 =	sadd.s32 s4, s22;
	p2 =	seq.s32 s31, $0x1  }
.Ltmp7:
0x177: {  	s23 =	sand.u32 $0x200, s20;
	s22 =	sshrl.u32 s22, $0x3;
	(pc) =	sbr.rel @!p2 .LBB2_4-.Ltmp7, $4  }
0x178: {  	s24 =	ssub.s32 $0x12200, s23;
	s22 =	sadd.s32 s1, s22  }
0x179: {  	[tilespmem:s24], [sflag:$0x1] =	stream.linear.gather [hbm4b:s22+s5], $0x200, $0x38;
	[tilespmem:$0x1E800] =	vst v63  }
0x17a: {  	p1 =	slt.u32 s21, $0x2;
	s23 =	ssub.s32 $0x12600, s23;
	s22 =	sadd.s32 $0x190000, s22  }
0x17b: {  	[tilespmem:s23], [sflag:$0x2] =	stream.linear.gather [hbm4b:s22+s5], $0x200, $0x38;
	[tilespmem:$0x1E800] =	vst v63  }
.Ltmp8:
0x17c: {  	(pc) =	sbr.rel @p1 .LBB2_11-.Ltmp8, $4  }
.Ltmp9:
0x17d: {  	(pc) =	sbr.rel @!p1 .LBB2_10-.Ltmp9, $4  }
0x17e: {  	_ = 	snop  }
0x17f: {  	_ = 	snop  }
0x180: {  	_ = 	snop  }
0x181: {  	_ = 	snop  }
.LBB2_4:
0x182: {  	p2 =	por $0x0, $0x0  }
.Ltmp10:
0x183: {  	_ = 	snop;
	(pc) =	sbr.rel @p2 .LBB2_5-.Ltmp10, $4  }
0x184: {  	s21 =	simm.s32 @!p1 $0x3  }
0x185: {  	_ =	swait.ge @!p1 [sflag:s21], $0x6000  }
0x186: {  	[sflag:s21] =	ssyncset.done @!p1 $0x0  }
0x187: {  	[sflag:s21] =	ssyncadd.s32 @!p1 $0xFFFFA000;
	s21 =	simm.s32 $0x0;
	p1 =	por $0x0, $0x0  }
0x188: {  	v50 =	vld [tilespmem:s21+$0x12000]  }
0x189: {  	v51 =	vld [tilespmem:s21+$0x12400];
	_ =	sdelay $0x3  }
0x18a: {  	v50 =	vtrunc.f32 v50  }
0x18b: {  	v51 =	vtrunc.f32 v51;
	v50 =	vcvt.f32.s32 v50  }
0x18c: {  	v51 =	vcvt.f32.s32 v51  }
0x18d: {  	v50 =	vshll.u32 v50, $0x3  }
0x18e: {  	v50 =	vadd.s32 v51, v50  }
0x18f: {  	v50 =	vadd.s32 $0xFFFFFFF8, v50  }
0x190: {  	v50 =	vmul.u32 $0x300, v50;
	_ =	sdelay $0x1  }
0x191: {  	v59 =	vor.u32 v0, v50  }
0x192: {  	v51 =	vand.u32 v2, v59;
	_ =	sdelay $0x4  }
0x193: {  	v51 =	vld.idx.msk [tilespmem:v51+s5+$0x0], $0xffff  }
0x194: {  	v52 =	vor.u32 v3, v50;
	_ =	sdelay $0x3  }
0x195: {  	[tilespmem:s21+$0x12800] =	vst v51  }
0x196: {  	v51 =	vld.idx.msk [tilespmem:v52+s5+$0x0], $0xffff  }
0x197: {  	v60 =	vor.u32 v4, v50;
	_ =	sdelay $0x3  }
0x198: {  	[tilespmem:s21+$0x12A00] =	vst v51  }
0x199: {  	v51 =	vld.idx.msk [tilespmem:v60+s5+$0x0], $0xffff  }
0x19a: {  	v61 =	vor.u32 v5, v50;
	_ =	sdelay $0x3  }
0x19b: {  	[tilespmem:s21+$0x12C00] =	vst v51  }
0x19c: {  	v51 =	vld.idx.msk [tilespmem:v61+s5+$0x0], $0xffff  }
0x19d: {  	v62 =	vor.u32 v6, v50;
	_ =	sdelay $0x3  }
0x19e: {  	[tilespmem:s21+$0x12E00] =	vst v51  }
0x19f: {  	v51 =	vld.idx.msk [tilespmem:v62+s5+$0x0], $0xffff  }
0x1a0: {  	v63 =	vor.u32 v7, v50;
	_ =	sdelay $0x3  }
0x1a1: {  	[tilespmem:s21+$0x13000] =	vst v51  }
0x1a2: {  	v51 =	vld.idx.msk [tilespmem:v63+s5+$0x0], $0xffff  }
0x1a3: {  	v56 =	vor.u32 v8, v50;
	_ =	sdelay $0x3  }
0x1a4: {  	[tilespmem:s21+$0x13200] =	vst v51  }
0x1a5: {  	v51 =	vld.idx.msk [tilespmem:v56+s5+$0x0], $0xffff  }
0x1a6: {  	v57 =	vor.u32 v9, v50;
	_ =	sdelay $0x3  }
0x1a7: {  	[tilespmem:s21+$0x13400] =	vst v51  }
0x1a8: {  	v51 =	vld.idx.msk [tilespmem:v57+s5+$0x0], $0xffff  }
0x1a9: {  	v58 =	vor.u32 v10, v50;
	_ =	sdelay $0x3  }
0x1aa: {  	[tilespmem:s21+$0x13600] =	vst v51  }
0x1ab: {  	v51 =	vld.idx.msk [tilespmem:v58+s5+$0x0], $0xffff  }
0x1ac: {  	v59 =	vor.u32 v11, v50;
	_ =	sdelay $0x3  }
0x1ad: {  	[tilespmem:s21+$0x13800] =	vst v51  }
0x1ae: {  	v51 =	vld.idx.msk [tilespmem:v59+s5+$0x0], $0xffff  }
0x1af: {  	v60 =	vor.u32 v12, v50;
	_ =	sdelay $0x3  }
0x1b0: {  	[tilespmem:s21+$0x13A00] =	vst v51  }
0x1b1: {  	v51 =	vld.idx.msk [tilespmem:v60+s5+$0x0], $0xffff  }
0x1b2: {  	v61 =	vor.u32 v13, v50;
	_ =	sdelay $0x3  }
0x1b3: {  	[tilespmem:s21+$0x13C00] =	vst v51  }
0x1b4: {  	v51 =	vld.idx.msk [tilespmem:v61+s5+$0x0], $0xffff  }
0x1b5: {  	v62 =	vor.u32 v14, v50;
	_ =	sdelay $0x3  }
0x1b6: {  	[tilespmem:s21+$0x13E00] =	vst v51  }
0x1b7: {  	v51 =	vld.idx.msk [tilespmem:v62+s5+$0x0], $0xffff  }
0x1b8: {  	v63 =	vor.u32 v15, v50;
	_ =	sdelay $0x3  }
0x1b9: {  	[tilespmem:s21+$0x14000] =	vst v51  }
0x1ba: {  	v51 =	vld.idx.msk [tilespmem:v63+s5+$0x0], $0xffff  }
0x1bb: {  	v56 =	vor.u32 v16, v50;
	_ =	sdelay $0x3  }
0x1bc: {  	[tilespmem:s21+$0x14200] =	vst v51  }
0x1bd: {  	v51 =	vld.idx.msk [tilespmem:v56+s5+$0x0], $0xffff  }
0x1be: {  	v57 =	vor.u32 v17, v50;
	_ =	sdelay $0x3  }
0x1bf: {  	v58 =	vadd.s32 v18, v50;
	[tilespmem:s21+$0x14400] =	vst v51  }
0x1c0: {  	v51 =	vand.u32 $0xFFFFFF08, v58;
	v52 =	vld.idx.msk [tilespmem:v57+s5+$0x0], $0xffff  }
0x1c1: {  	v51 =	vor.u32 v1, v51;
	_ =	sdelay $0x3  }
0x1c2: {  	v59 =	vadd.s32 v19, v50;
	[tilespmem:s21+$0x14600] =	vst v52  }
0x1c3: {  	v52 =	vand.u32 $0xFFFFFF18, v59;
	v51 =	vld.idx.msk [tilespmem:v51+s5+$0x0], $0xffff  }
0x1c4: {  	v52 =	vor.u32 v1, v52;
	_ =	sdelay $0x3  }
0x1c5: {  	v60 =	vadd.s32 v20, v50;
	[tilespmem:s21+$0x14800] =	vst v51  }
0x1c6: {  	v51 =	vand.u32 $0xFFFFFF28, v60;
	v52 =	vld.idx.msk [tilespmem:v52+s5+$0x0], $0xffff  }
0x1c7: {  	v51 =	vor.u32 v1, v51;
	_ =	sdelay $0x3  }
0x1c8: {  	v61 =	vadd.s32 v21, v50;
	[tilespmem:s21+$0x14A00] =	vst v52  }
0x1c9: {  	v52 =	vand.u32 $0xFFFFFF38, v61;
	v51 =	vld.idx.msk [tilespmem:v51+s5+$0x0], $0xffff  }
0x1ca: {  	v52 =	vor.u32 v1, v52;
	_ =	sdelay $0x3  }
0x1cb: {  	v62 =	vadd.s32 v22, v50;
	[tilespmem:s21+$0x14C00] =	vst v51  }
0x1cc: {  	v51 =	vand.u32 $0xFFFFFF48, v62;
	v52 =	vld.idx.msk [tilespmem:v52+s5+$0x0], $0xffff  }
0x1cd: {  	v51 =	vor.u32 v1, v51;
	_ =	sdelay $0x3  }
0x1ce: {  	v63 =	vadd.s32 v23, v50;
	[tilespmem:s21+$0x14E00] =	vst v52  }
0x1cf: {  	v52 =	vand.u32 $0xFFFFFF58, v63;
	v51 =	vld.idx.msk [tilespmem:v51+s5+$0x0], $0xffff  }
0x1d0: {  	v52 =	vor.u32 v1, v52;
	_ =	sdelay $0x3  }
0x1d1: {  	v56 =	vadd.s32 v24, v50;
	[tilespmem:s21+$0x15000] =	vst v51  }
0x1d2: {  	v51 =	vand.u32 $0xFFFFFF68, v56;
	v52 =	vld.idx.msk [tilespmem:v52+s5+$0x0], $0xffff  }
0x1d3: {  	v51 =	vor.u32 v1, v51;
	_ =	sdelay $0x3  }
0x1d4: {  	v57 =	vadd.s32 v25, v50;
	[tilespmem:s21+$0x15200] =	vst v52  }
0x1d5: {  	v52 =	vand.u32 $0xFFFFFF78, v57;
	v51 =	vld.idx.msk [tilespmem:v51+s5+$0x0], $0xffff  }
0x1d6: {  	v52 =	vor.u32 v1, v52;
	_ =	sdelay $0x3  }
0x1d7: {  	v58 =	vadd.s32 v26, v50;
	[tilespmem:s21+$0x15400] =	vst v51  }
0x1d8: {  	v51 =	vand.u32 $0xFFFFFF88, v58;
	v52 =	vld.idx.msk [tilespmem:v52+s5+$0x0], $0xffff  }
0x1d9: {  	v51 =	vor.u32 v1, v51;
	_ =	sdelay $0x3  }
0x1da: {  	v59 =	vadd.s32 v27, v50;
	[tilespmem:s21+$0x15600] =	vst v52  }
0x1db: {  	v52 =	vand.u32 $0xFFFFFF98, v59;
	v51 =	vld.idx.msk [tilespmem:v51+s5+$0x0], $0xffff  }
0x1dc: {  	v52 =	vor.u32 v1, v52;
	_ =	sdelay $0x3  }
0x1dd: {  	v60 =	vadd.s32 v28, v50;
	[tilespmem:s21+$0x15800] =	vst v51  }
0x1de: {  	v51 =	vand.u32 $0xFFFFFFA8, v60;
	v52 =	vld.idx.msk [tilespmem:v52+s5+$0x0], $0xffff  }
0x1df: {  	v51 =	vor.u32 v1, v51;
	_ =	sdelay $0x3  }
0x1e0: {  	v61 =	vadd.s32 v29, v50;
	[tilespmem:s21+$0x15A00] =	vst v52  }
0x1e1: {  	v52 =	vand.u32 $0xFFFFFFB8, v61;
	v51 =	vld.idx.msk [tilespmem:v51+s5+$0x0], $0xffff  }
0x1e2: {  	v52 =	vor.u32 v1, v52;
	_ =	sdelay $0x3  }
0x1e3: {  	v62 =	vadd.s32 v30, v50;
	[tilespmem:s21+$0x15C00] =	vst v51  }
0x1e4: {  	v51 =	vand.u32 $0xFFFFFFC8, v62;
	v52 =	vld.idx.msk [tilespmem:v52+s5+$0x0], $0xffff  }
0x1e5: {  	v51 =	vor.u32 v1, v51;
	_ =	sdelay $0x3  }
0x1e6: {  	v63 =	vadd.s32 v31, v50;
	[tilespmem:s21+$0x15E00] =	vst v52  }
0x1e7: {  	v52 =	vand.u32 $0xFFFFFFD8, v63;
	v51 =	vld.idx.msk [tilespmem:v51+s5+$0x0], $0xffff  }
0x1e8: {  	v52 =	vor.u32 v1, v52;
	_ =	sdelay $0x3  }
0x1e9: {  	v56 =	vadd.s32 v32, v50;
	[tilespmem:s21+$0x16000] =	vst v51  }
0x1ea: {  	v51 =	vand.u32 $0xFFFFFFE8, v56;
	v52 =	vld.idx.msk [tilespmem:v52+s5+$0x0], $0xffff  }
0x1eb: {  	v51 =	vor.u32 v1, v51;
	_ =	sdelay $0x3  }
0x1ec: {  	v57 =	vadd.s32 v33, v50;
	[tilespmem:s21+$0x16200] =	vst v52  }
0x1ed: {  	v52 =	vand.u32 $0xFFFFFFF8, v57;
	v51 =	vld.idx.msk [tilespmem:v51+s5+$0x0], $0xffff  }
0x1ee: {  	v52 =	vor.u32 v1, v52;
	_ =	sdelay $0x3  }
0x1ef: {  	v58 =	vadd.s32 v34, v50;
	[tilespmem:s21+$0x16400] =	vst v51  }
0x1f0: {  	v51 =	vand.u32 $0xFFFFFF08, v58;
	v52 =	vld.idx.msk [tilespmem:v52+s5+$0x0], $0xffff  }
0x1f1: {  	v51 =	vor.u32 v1, v51;
	_ =	sdelay $0x3  }
0x1f2: {  	v59 =	vadd.s32 v35, v50;
	[tilespmem:s21+$0x16600] =	vst v52  }
0x1f3: {  	v52 =	vand.u32 $0xFFFFFF18, v59;
	v51 =	vld.idx.msk [tilespmem:v51+s5+$0x0], $0xffff  }
0x1f4: {  	v52 =	vor.u32 v1, v52;
	_ =	sdelay $0x3  }
0x1f5: {  	v60 =	vadd.s32 v36, v50;
	[tilespmem:s21+$0x16800] =	vst v51  }
0x1f6: {  	v51 =	vand.u32 $0xFFFFFF28, v60;
	v52 =	vld.idx.msk [tilespmem:v52+s5+$0x0], $0xffff  }
0x1f7: {  	v51 =	vor.u32 v1, v51;
	_ =	sdelay $0x3  }
0x1f8: {  	v61 =	vadd.s32 v37, v50;
	[tilespmem:s21+$0x16A00] =	vst v52  }
0x1f9: {  	v52 =	vand.u32 $0xFFFFFF38, v61;
	v51 =	vld.idx.msk [tilespmem:v51+s5+$0x0], $0xffff  }
0x1fa: {  	v52 =	vor.u32 v1, v52;
	_ =	sdelay $0x3  }
0x1fb: {  	v62 =	vadd.s32 v38, v50;
	[tilespmem:s21+$0x16C00] =	vst v51  }
0x1fc: {  	v51 =	vand.u32 $0xFFFFFF48, v62;
	v52 =	vld.idx.msk [tilespmem:v52+s5+$0x0], $0xffff  }
0x1fd: {  	v51 =	vor.u32 v1, v51;
	_ =	sdelay $0x3  }
0x1fe: {  	v63 =	vadd.s32 v39, v50;
	[tilespmem:s21+$0x16E00] =	vst v52  }
0x1ff: {  	v52 =	vand.u32 $0xFFFFFF58, v63;
	v51 =	vld.idx.msk [tilespmem:v51+s5+$0x0], $0xffff  }
0x200: {  	v52 =	vor.u32 v1, v52;
	_ =	sdelay $0x3  }
0x201: {  	v56 =	vadd.s32 v40, v50;
	[tilespmem:s21+$0x17000] =	vst v51  }
0x202: {  	v51 =	vand.u32 $0xFFFFFF68, v56;
	v52 =	vld.idx.msk [tilespmem:v52+s5+$0x0], $0xffff  }
0x203: {  	v51 =	vor.u32 v1, v51;
	_ =	sdelay $0x3  }
0x204: {  	v57 =	vadd.s32 v41, v50;
	[tilespmem:s21+$0x17200] =	vst v52  }
0x205: {  	v52 =	vand.u32 $0xFFFFFF78, v57;
	v51 =	vld.idx.msk [tilespmem:v51+s5+$0x0], $0xffff  }
0x206: {  	v52 =	vor.u32 v1, v52;
	_ =	sdelay $0x3  }
0x207: {  	v58 =	vadd.s32 v42, v50;
	[tilespmem:s21+$0x17400] =	vst v51  }
0x208: {  	v51 =	vand.u32 $0xFFFFFF88, v58;
	v52 =	vld.idx.msk [tilespmem:v52+s5+$0x0], $0xffff  }
0x209: {  	v51 =	vor.u32 v1, v51;
	_ =	sdelay $0x3  }
0x20a: {  	v59 =	vadd.s32 v43, v50;
	[tilespmem:s21+$0x17600] =	vst v52  }
0x20b: {  	v52 =	vand.u32 $0xFFFFFF98, v59;
	v51 =	vld.idx.msk [tilespmem:v51+s5+$0x0], $0xffff  }
0x20c: {  	v52 =	vor.u32 v1, v52;
	_ =	sdelay $0x3  }
0x20d: {  	v60 =	vadd.s32 v44, v50;
	[tilespmem:s21+$0x17800] =	vst v51  }
0x20e: {  	v51 =	vand.u32 $0xFFFFFFA8, v60;
	v52 =	vld.idx.msk [tilespmem:v52+s5+$0x0], $0xffff  }
0x20f: {  	v51 =	vor.u32 v1, v51;
	_ =	sdelay $0x3  }
0x210: {  	v61 =	vadd.s32 v45, v50;
	[tilespmem:s21+$0x17A00] =	vst v52  }
0x211: {  	v52 =	vand.u32 $0xFFFFFFB8, v61;
	v51 =	vld.idx.msk [tilespmem:v51+s5+$0x0], $0xffff  }
0x212: {  	v52 =	vor.u32 v1, v52;
	_ =	sdelay $0x3  }
0x213: {  	v62 =	vadd.s32 v46, v50;
	[tilespmem:s21+$0x17C00] =	vst v51  }
0x214: {  	v51 =	vand.u32 $0xFFFFFFC8, v62;
	v52 =	vld.idx.msk [tilespmem:v52+s5+$0x0], $0xffff  }
0x215: {  	v51 =	vor.u32 v1, v51;
	_ =	sdelay $0x3  }
0x216: {  	v63 =	vadd.s32 v47, v50;
	[tilespmem:s21+$0x17E00] =	vst v52  }
0x217: {  	v52 =	vand.u32 $0xFFFFFFD8, v63;
	v51 =	vld.idx.msk [tilespmem:v51+s5+$0x0], $0xffff  }
0x218: {  	p2 =	por $0x0, $0x0;
	v52 =	vor.u32 v1, v52  }
.Ltmp11:
0x219: {  	_ = 	snop;
	(pc) =	sbr.rel @p2 .LBB2_8-.Ltmp11, $3  }
0x21a: {  	_ =	sdelay $0x1  }
0x21b: {  	v53 =	vadd.s32 v48, v50;
	[tilespmem:s21+$0x18000] =	vst v51  }
0x21c: {  	s23 =	simm.s32 $0x10;
	s22 =	simm.s32 $0x80;
	p1 =	por $0x1, $0x1;
	v51 =	vld.idx.msk [tilespmem:v52+s5+$0x0], $0xffff;
	v52 =	vand.u32 $0xFFFFFFE8, v53  }
.LBB2_7:
0x21d: {  	p2 =	seq.s32 s22, $0x7C0;
	v53 =	vld [tilespmem:s23+$0x12000];
	v52 =	vor.u32 v1, v52  }
0x21e: {  	v54 =	vld [tilespmem:s23+$0x12400];
	_ =	sdelay $0x2  }
0x21f: {  	[tilespmem:s21+$0x18200] =	vst v51  }
0x220: {  	v50 =	vadd.s32 v49, v50;
	v51 =	vtrunc.f32 v53;
	v52 =	vld.idx.msk [tilespmem:v52+s5+$0x0], $0xffff  }
0x221: {  	v50 =	vand.u32 $0xFFFFFFF8, v50;
	v51 =	vcvt.f32.s32 v51;
	v53 =	vtrunc.f32 v54  }
0x222: {  	v54 =	vor.u32 v1, v50;
	v53 =	vcvt.f32.s32 v53  }
0x223: {  	v50 =	vshll.u32 v51, $0x3  }
0x224: {  	v50 =	vadd.s32 v53, v50  }
0x225: {  	v50 =	vadd.s32 $0xFFFFFFF8, v50  }
0x226: {  	v50 =	vmul.u32 $0x300, v50;
	[tilespmem:s21+$0x18400] =	vst v52  }
0x227: {  	v51 =	vld.idx.msk [tilespmem:v54+s5+$0x0], $0xffff  }
0x228: {  	v52 =	vor.u32 v0, v50  }
0x229: {  	v52 =	vand.u32 v2, v52;
	_ =	sdelay $0x3  }
0x22a: {  	[tilespmem:s21+$0x18600] =	vst v51;
	s21 =	smov.u32 s23  }
0x22b: {  	v51 =	vld.idx.msk [tilespmem:v52+s5+$0x0], $0xffff;
	_ =	sdelay $0x1  }
0x22c: {  	v52 =	vor.u32 v3, v50;
	_ =	sdelay $0x3  }
0x22d: {  	[tilespmem:s21+$0x12800] =	vst v51  }
0x22e: {  	v51 =	vld.idx.msk [tilespmem:v52+s5+$0x0], $0xffff;
	_ =	sdelay $0x1  }
0x22f: {  	v52 =	vor.u32 v4, v50;
	_ =	sdelay $0x3  }
0x230: {  	[tilespmem:s21+$0x12A00] =	vst v51  }
0x231: {  	v51 =	vld.idx.msk [tilespmem:v52+s5+$0x0], $0xffff;
	_ =	sdelay $0x1  }
0x232: {  	v52 =	vor.u32 v5, v50;
	_ =	sdelay $0x3  }
0x233: {  	[tilespmem:s21+$0x12C00] =	vst v51  }
0x234: {  	v51 =	vld.idx.msk [tilespmem:v52+s5+$0x0], $0xffff;
	_ =	sdelay $0x1  }
0x235: {  	v52 =	vor.u32 v6, v50;
	_ =	sdelay $0x3  }
0x236: {  	[tilespmem:s21+$0x12E00] =	vst v51  }
0x237: {  	v51 =	vld.idx.msk [tilespmem:v52+s5+$0x0], $0xffff;
	_ =	sdelay $0x1  }
0x238: {  	v52 =	vor.u32 v7, v50;
	_ =	sdelay $0x3  }
0x239: {  	[tilespmem:s21+$0x13000] =	vst v51  }
0x23a: {  	v51 =	vld.idx.msk [tilespmem:v52+s5+$0x0], $0xffff;
	_ =	sdelay $0x1  }
0x23b: {  	v52 =	vor.u32 v8, v50;
	_ =	sdelay $0x3  }
0x23c: {  	[tilespmem:s21+$0x13200] =	vst v51  }
0x23d: {  	v51 =	vld.idx.msk [tilespmem:v52+s5+$0x0], $0xffff;
	_ =	sdelay $0x1  }
0x23e: {  	v52 =	vor.u32 v9, v50;
	_ =	sdelay $0x3  }
0x23f: {  	[tilespmem:s21+$0x13400] =	vst v51  }
0x240: {  	v51 =	vld.idx.msk [tilespmem:v52+s5+$0x0], $0xffff;
	_ =	sdelay $0x1  }
0x241: {  	v52 =	vor.u32 v10, v50;
	_ =	sdelay $0x3  }
0x242: {  	[tilespmem:s21+$0x13600] =	vst v51  }
0x243: {  	v51 =	vld.idx.msk [tilespmem:v52+s5+$0x0], $0xffff;
	_ =	sdelay $0x1  }
0x244: {  	v52 =	vor.u32 v11, v50;
	_ =	sdelay $0x3  }
0x245: {  	[tilespmem:s21+$0x13800] =	vst v51  }
0x246: {  	v51 =	vld.idx.msk [tilespmem:v52+s5+$0x0], $0xffff;
	_ =	sdelay $0x1  }
0x247: {  	v52 =	vor.u32 v12, v50;
	_ =	sdelay $0x3  }
0x248: {  	[tilespmem:s21+$0x13A00] =	vst v51  }
0x249: {  	v51 =	vld.idx.msk [tilespmem:v52+s5+$0x0], $0xffff;
	_ =	sdelay $0x1  }
0x24a: {  	v52 =	vor.u32 v13, v50;
	_ =	sdelay $0x3  }
0x24b: {  	[tilespmem:s21+$0x13C00] =	vst v51  }
0x24c: {  	v51 =	vld.idx.msk [tilespmem:v52+s5+$0x0], $0xffff;
	_ =	sdelay $0x1  }
0x24d: {  	v52 =	vor.u32 v14, v50;
	_ =	sdelay $0x3  }
0x24e: {  	[tilespmem:s21+$0x13E00] =	vst v51  }
0x24f: {  	v51 =	vld.idx.msk [tilespmem:v52+s5+$0x0], $0xffff;
	_ =	sdelay $0x1  }
0x250: {  	v52 =	vor.u32 v15, v50;
	_ =	sdelay $0x3  }
0x251: {  	[tilespmem:s21+$0x14000] =	vst v51  }
0x252: {  	v51 =	vld.idx.msk [tilespmem:v52+s5+$0x0], $0xffff;
	_ =	sdelay $0x1  }
0x253: {  	v52 =	vor.u32 v16, v50;
	_ =	sdelay $0x3  }
0x254: {  	[tilespmem:s21+$0x14200] =	vst v51  }
0x255: {  	v51 =	vld.idx.msk [tilespmem:v52+s5+$0x0], $0xffff;
	_ =	sdelay $0x1  }
0x256: {  	v52 =	vor.u32 v17, v50;
	_ =	sdelay $0x3  }
0x257: {  	[tilespmem:s21+$0x14400] =	vst v51  }
0x258: {  	v51 =	vld.idx.msk [tilespmem:v52+s5+$0x0], $0xffff;
	v52 =	vadd.s32 v18, v50  }
0x259: {  	v52 =	vand.u32 $0xFFFFFF08, v52  }
0x25a: {  	v52 =	vor.u32 v1, v52;
	_ =	sdelay $0x3  }
0x25b: {  	[tilespmem:s21+$0x14600] =	vst v51  }
0x25c: {  	v51 =	vld.idx.msk [tilespmem:v52+s5+$0x0], $0xffff;
	v52 =	vadd.s32 v19, v50  }
0x25d: {  	v52 =	vand.u32 $0xFFFFFF18, v52  }
0x25e: {  	v52 =	vor.u32 v1, v52;
	_ =	sdelay $0x3  }
0x25f: {  	[tilespmem:s21+$0x14800] =	vst v51  }
0x260: {  	v51 =	vld.idx.msk [tilespmem:v52+s5+$0x0], $0xffff;
	v52 =	vadd.s32 v20, v50  }
0x261: {  	v52 =	vand.u32 $0xFFFFFF28, v52  }
0x262: {  	v52 =	vor.u32 v1, v52;
	_ =	sdelay $0x3  }
0x263: {  	[tilespmem:s21+$0x14A00] =	vst v51  }
0x264: {  	v51 =	vld.idx.msk [tilespmem:v52+s5+$0x0], $0xffff;
	v52 =	vadd.s32 v21, v50  }
0x265: {  	v52 =	vand.u32 $0xFFFFFF38, v52  }
0x266: {  	v52 =	vor.u32 v1, v52;
	_ =	sdelay $0x3  }
0x267: {  	[tilespmem:s21+$0x14C00] =	vst v51  }
0x268: {  	v51 =	vld.idx.msk [tilespmem:v52+s5+$0x0], $0xffff;
	v52 =	vadd.s32 v22, v50  }
0x269: {  	v52 =	vand.u32 $0xFFFFFF48, v52  }
0x26a: {  	v52 =	vor.u32 v1, v52;
	_ =	sdelay $0x3  }
0x26b: {  	[tilespmem:s21+$0x14E00] =	vst v51  }
0x26c: {  	v51 =	vld.idx.msk [tilespmem:v52+s5+$0x0], $0xffff;
	v52 =	vadd.s32 v23, v50  }
0x26d: {  	v52 =	vand.u32 $0xFFFFFF58, v52  }
0x26e: {  	v52 =	vor.u32 v1, v52;
	_ =	sdelay $0x3  }
0x26f: {  	[tilespmem:s21+$0x15000] =	vst v51  }
0x270: {  	v51 =	vld.idx.msk [tilespmem:v52+s5+$0x0], $0xffff;
	v52 =	vadd.s32 v24, v50  }
0x271: {  	v52 =	vand.u32 $0xFFFFFF68, v52  }
0x272: {  	v52 =	vor.u32 v1, v52;
	_ =	sdelay $0x3  }
0x273: {  	[tilespmem:s21+$0x15200] =	vst v51  }
0x274: {  	v51 =	vld.idx.msk [tilespmem:v52+s5+$0x0], $0xffff;
	v52 =	vadd.s32 v25, v50  }
0x275: {  	v52 =	vand.u32 $0xFFFFFF78, v52  }
0x276: {  	v52 =	vor.u32 v1, v52;
	_ =	sdelay $0x3  }
0x277: {  	[tilespmem:s21+$0x15400] =	vst v51  }
0x278: {  	v51 =	vld.idx.msk [tilespmem:v52+s5+$0x0], $0xffff;
	v52 =	vadd.s32 v26, v50  }
0x279: {  	v52 =	vand.u32 $0xFFFFFF88, v52  }
0x27a: {  	v52 =	vor.u32 v1, v52;
	_ =	sdelay $0x3  }
0x27b: {  	[tilespmem:s21+$0x15600] =	vst v51  }
0x27c: {  	v51 =	vld.idx.msk [tilespmem:v52+s5+$0x0], $0xffff;
	v52 =	vadd.s32 v27, v50  }
0x27d: {  	v52 =	vand.u32 $0xFFFFFF98, v52  }
0x27e: {  	v52 =	vor.u32 v1, v52;
	_ =	sdelay $0x3  }
0x27f: {  	[tilespmem:s21+$0x15800] =	vst v51  }
0x280: {  	v51 =	vld.idx.msk [tilespmem:v52+s5+$0x0], $0xffff;
	v52 =	vadd.s32 v28, v50  }
0x281: {  	v52 =	vand.u32 $0xFFFFFFA8, v52  }
0x282: {  	v52 =	vor.u32 v1, v52;
	_ =	sdelay $0x3  }
0x283: {  	[tilespmem:s21+$0x15A00] =	vst v51  }
0x284: {  	v51 =	vld.idx.msk [tilespmem:v52+s5+$0x0], $0xffff;
	v52 =	vadd.s32 v29, v50  }
0x285: {  	v52 =	vand.u32 $0xFFFFFFB8, v52  }
0x286: {  	v52 =	vor.u32 v1, v52;
	_ =	sdelay $0x3  }
0x287: {  	[tilespmem:s21+$0x15C00] =	vst v51  }
0x288: {  	v51 =	vld.idx.msk [tilespmem:v52+s5+$0x0], $0xffff;
	v52 =	vadd.s32 v30, v50  }
0x289: {  	v52 =	vand.u32 $0xFFFFFFC8, v52  }
0x28a: {  	v52 =	vor.u32 v1, v52;
	_ =	sdelay $0x3  }
0x28b: {  	[tilespmem:s21+$0x15E00] =	vst v51  }
0x28c: {  	v51 =	vld.idx.msk [tilespmem:v52+s5+$0x0], $0xffff;
	v52 =	vadd.s32 v31, v50  }
0x28d: {  	v52 =	vand.u32 $0xFFFFFFD8, v52  }
0x28e: {  	v52 =	vor.u32 v1, v52;
	_ =	sdelay $0x3  }
0x28f: {  	[tilespmem:s21+$0x16000] =	vst v51  }
0x290: {  	v51 =	vld.idx.msk [tilespmem:v52+s5+$0x0], $0xffff;
	v52 =	vadd.s32 v32, v50  }
0x291: {  	v52 =	vand.u32 $0xFFFFFFE8, v52  }
0x292: {  	v52 =	vor.u32 v1, v52;
	_ =	sdelay $0x3  }
0x293: {  	[tilespmem:s21+$0x16200] =	vst v51  }
0x294: {  	v51 =	vld.idx.msk [tilespmem:v52+s5+$0x0], $0xffff;
	v52 =	vadd.s32 v33, v50  }
0x295: {  	v52 =	vand.u32 $0xFFFFFFF8, v52  }
0x296: {  	v52 =	vor.u32 v1, v52;
	_ =	sdelay $0x3  }
0x297: {  	[tilespmem:s21+$0x16400] =	vst v51  }
0x298: {  	v51 =	vld.idx.msk [tilespmem:v52+s5+$0x0], $0xffff;
	v52 =	vadd.s32 v34, v50  }
0x299: {  	v52 =	vand.u32 $0xFFFFFF08, v52  }
0x29a: {  	v52 =	vor.u32 v1, v52;
	_ =	sdelay $0x3  }
0x29b: {  	[tilespmem:s21+$0x16600] =	vst v51  }
0x29c: {  	v51 =	vld.idx.msk [tilespmem:v52+s5+$0x0], $0xffff;
	v52 =	vadd.s32 v35, v50  }
0x29d: {  	v52 =	vand.u32 $0xFFFFFF18, v52  }
0x29e: {  	v52 =	vor.u32 v1, v52;
	_ =	sdelay $0x3  }
0x29f: {  	[tilespmem:s21+$0x16800] =	vst v51  }
0x2a0: {  	v51 =	vld.idx.msk [tilespmem:v52+s5+$0x0], $0xffff;
	v52 =	vadd.s32 v36, v50  }
0x2a1: {  	v52 =	vand.u32 $0xFFFFFF28, v52  }
0x2a2: {  	v52 =	vor.u32 v1, v52;
	_ =	sdelay $0x3  }
0x2a3: {  	[tilespmem:s21+$0x16A00] =	vst v51  }
0x2a4: {  	v51 =	vld.idx.msk [tilespmem:v52+s5+$0x0], $0xffff;
	v52 =	vadd.s32 v37, v50  }
0x2a5: {  	v52 =	vand.u32 $0xFFFFFF38, v52  }
0x2a6: {  	v52 =	vor.u32 v1, v52;
	_ =	sdelay $0x3  }
0x2a7: {  	[tilespmem:s21+$0x16C00] =	vst v51  }
0x2a8: {  	v51 =	vld.idx.msk [tilespmem:v52+s5+$0x0], $0xffff;
	v52 =	vadd.s32 v38, v50  }
0x2a9: {  	v52 =	vand.u32 $0xFFFFFF48, v52  }
0x2aa: {  	v52 =	vor.u32 v1, v52;
	_ =	sdelay $0x3  }
0x2ab: {  	[tilespmem:s21+$0x16E00] =	vst v51  }
0x2ac: {  	v51 =	vld.idx.msk [tilespmem:v52+s5+$0x0], $0xffff;
	v52 =	vadd.s32 v39, v50  }
0x2ad: {  	v52 =	vand.u32 $0xFFFFFF58, v52  }
0x2ae: {  	v52 =	vor.u32 v1, v52;
	_ =	sdelay $0x3  }
0x2af: {  	[tilespmem:s21+$0x17000] =	vst v51  }
0x2b0: {  	v51 =	vld.idx.msk [tilespmem:v52+s5+$0x0], $0xffff;
	v52 =	vadd.s32 v40, v50  }
0x2b1: {  	v52 =	vand.u32 $0xFFFFFF68, v52  }
0x2b2: {  	v52 =	vor.u32 v1, v52;
	_ =	sdelay $0x3  }
0x2b3: {  	[tilespmem:s21+$0x17200] =	vst v51  }
0x2b4: {  	v51 =	vld.idx.msk [tilespmem:v52+s5+$0x0], $0xffff;
	v52 =	vadd.s32 v41, v50  }
0x2b5: {  	v52 =	vand.u32 $0xFFFFFF78, v52  }
0x2b6: {  	v52 =	vor.u32 v1, v52;
	_ =	sdelay $0x3  }
0x2b7: {  	[tilespmem:s21+$0x17400] =	vst v51  }
0x2b8: {  	v51 =	vld.idx.msk [tilespmem:v52+s5+$0x0], $0xffff;
	v52 =	vadd.s32 v42, v50  }
0x2b9: {  	v52 =	vand.u32 $0xFFFFFF88, v52  }
0x2ba: {  	v52 =	vor.u32 v1, v52;
	_ =	sdelay $0x3  }
0x2bb: {  	[tilespmem:s21+$0x17600] =	vst v51  }
0x2bc: {  	v51 =	vld.idx.msk [tilespmem:v52+s5+$0x0], $0xffff;
	v52 =	vadd.s32 v43, v50  }
0x2bd: {  	v52 =	vand.u32 $0xFFFFFF98, v52  }
0x2be: {  	v52 =	vor.u32 v1, v52;
	_ =	sdelay $0x3  }
0x2bf: {  	[tilespmem:s21+$0x17800] =	vst v51  }
0x2c0: {  	v51 =	vld.idx.msk [tilespmem:v52+s5+$0x0], $0xffff;
	v52 =	vadd.s32 v44, v50  }
0x2c1: {  	v52 =	vand.u32 $0xFFFFFFA8, v52  }
0x2c2: {  	v52 =	vor.u32 v1, v52;
	_ =	sdelay $0x3  }
0x2c3: {  	[tilespmem:s21+$0x17A00] =	vst v51  }
0x2c4: {  	v51 =	vld.idx.msk [tilespmem:v52+s5+$0x0], $0xffff;
	v52 =	vadd.s32 v45, v50  }
0x2c5: {  	v52 =	vand.u32 $0xFFFFFFB8, v52  }
0x2c6: {  	v52 =	vor.u32 v1, v52;
	_ =	sdelay $0x3  }
0x2c7: {  	[tilespmem:s21+$0x17C00] =	vst v51  }
0x2c8: {  	v51 =	vld.idx.msk [tilespmem:v52+s5+$0x0], $0xffff;
	v52 =	vadd.s32 v46, v50  }
0x2c9: {  	v52 =	vand.u32 $0xFFFFFFC8, v52  }
0x2ca: {  	v52 =	vor.u32 v1, v52;
	_ =	sdelay $0x3  }
0x2cb: {  	[tilespmem:s21+$0x17E00] =	vst v51  }
0x2cc: {  	v51 =	vld.idx.msk [tilespmem:v52+s5+$0x0], $0xffff;
	v52 =	vadd.s32 v47, v50  }
0x2cd: {  	v52 =	vand.u32 $0xFFFFFFD8, v52  }
0x2ce: {  	v52 =	vor.u32 v1, v52;
	_ =	sdelay $0x1  }
.Ltmp12:
0x2cf: {  	(pc) =	sbr.rel @!p2 .LBB2_7-.Ltmp12, $4  }
0x2d0: {  	_ = 	snop  }
0x2d1: {  	[tilespmem:s21+$0x18000] =	vst v51  }
0x2d2: {  	v51 =	vld.idx.msk [tilespmem:v52+s5+$0x0], $0xffff;
	v52 =	vadd.s32 v48, v50  }
0x2d3: {  	s23 =	sshra.s32 s22, $0x2;
	s22 =	sadd.s32 $0x40, s22;
	v52 =	vand.u32 $0xFFFFFFE8, v52  }
.Ltmp13:
0x2d4: {  	_ = 	snop;
	(pc) =	sbr.rel .LBB2_8-.Ltmp13, $1  }
0x2d5: {  	_ =	sdelay $0x3  }
.LBB2_16:
0x2d6: {  	_ =	sfence.sel $0x180000  }
0x2d7: {  	[bflag:$0x0] =	sbarrier.arrive $0xFFFF  }
0x2d8: {  	p0 =	sne.s32 s0, $0x0;
	_ =	strace $0x90000047  }
0x2d9: {  	s0 =	sadd.s32 @!p0 $0x100000, s2;
	[bflag:$0x2] =	sbarrier.arrive $0xFFFF  }
0x2da: {  	[sflag:s0] =	ssyncadd.tile.s32 @!p0 $0x1;
	_ =	shalt  }
.Lfunc_end2:
_tile_overlayer_lowered:
.L_overlay_start_2:
0x2db: {  	(tag) =	ssettag $0x2  }
0x2dc: {  	s0 =	rddreg [dreg:$0x0];
	s2 =	stileid.u32  }
0x2dd: {  	s1 =	rddreg [dreg:$0x1];
	p0 =	sne.s32 s2, $0x0  }
0x2de: {  	s3 =	rddreg [dreg:$0x2];
	[bflag:$0x3] =	sbarrier.arrive $0xFFFF;
	s2 =	simm.s32 @!p0 $0x1C04  }
0x2df: {  	[timem:s3], [sflag:s2] =	dma.local @!p0 [hbm:s0], s1  }
0x2e0: {  	s0 =	simm.s32 @!p0 $0x4  }
0x2e1: {  	_ =	swait.ge @!p0 [sflag:s0], s1  }
0x2e2: {  	s1 =	ssub.s32 @!p0 $0x0, s1;
	[sflag:s0] =	ssyncset.done @!p0 $0x0  }
0x2e3: {  	[sflag:s0] =	ssyncadd.s32 @!p0 s1  }
0x2e4: {  	[bflag:$0x3] =	sbarrier.arrive $0xFFFF  }
0x2e5: {  	_ =	shalt  }

</sc_bundles>
